<compile_context>
chip_gen: v7x
topology: tpu7x:2x2x1
jax: 0.10.2.dev20260603
libtpu: 0.0.44.dev20260713+nightly
codegen_flags: <defaults>
</compile_context>

<pallas_src>
import jax
import jax.numpy as jnp
from jax import lax
from jax.experimental import pallas as pl
from jax.experimental.pallas import tpu as pltpu
from jax.experimental.pallas import tpu_sc as plsc

B = 1048576
NUM_ACT = 4
NC = 2
NS = 16
L = 16
NW = NC * NS
TC_ROWS = 524288
SC_ROWS = B - TC_ROWS
ROWS = SC_ROWS // NW
CHUNK = 8192
NCHUNK = ROWS // CHUNK
TC_GRID = 8
TC_RB = TC_ROWS // 128 // TC_GRID

LN2 = 0.6931471805599453
_POLY = (0.03010225, -0.28062917, 1.10479658,
         -2.42079299, 3.49821188, -1.93166642 - 127.0 * LN2)


def _log_f32(p):
    bits = plsc.bitcast(p, jnp.int32)
    ef = (bits >> 23).astype(jnp.float32)
    m = plsc.bitcast((bits & 0x7FFFFF) | 0x3F800000, jnp.float32)
    poly = jnp.float32(_POLY[0])
    for c in _POLY[1:]:
        poly = poly * m + c
    ln = ef * LN2 + poly
    return jnp.where(p == 0.0, -jnp.inf, ln)


def _body(rew_hbm, act_hbm, pro_hbm, out_hbm,
          act_v, rew_v, pro_v, stage_v, sems):
    c = lax.axis_index("c")
    s = lax.axis_index("s")
    row0 = (c * NS + s) * ROWS
    iota = lax.iota(jnp.int32, L)

    def start(k, buf):
        base = row0 + k * CHUNK
        return (
            pltpu.async_copy(act_hbm.at[pl.ds(base, CHUNK)],
                             act_v.at[buf], sems.at[buf]),
            pltpu.async_copy(rew_hbm.at[pl.ds(base, CHUNK)],
                             rew_v.at[buf], sems.at[buf]),
            pltpu.async_copy(pro_hbm.at[pl.ds(base * 4, CHUNK * 4)],
                             pro_v.at[buf], sems.at[buf]),
        )

    inflight = {0: start(0, 0)}
    acc = jnp.zeros((L,), jnp.float32)
    for k in range(NCHUNK):
        buf = k % 2
        for d in inflight.pop(k):
            d.wait()
        if k + 1 < NCHUNK:
            inflight[k + 1] = start(k + 1, 1 - buf)

        def inner(g, acc, buf=buf):
            a = act_v[buf, pl.ds(g * L, L)]
            r = rew_v[buf, pl.ds(g * L, L)]
            sbase = ((g >> 3) << 9) | ((g & 7) << 4)
            idx = (a << 7) + iota + sbase
            p = plsc.load_gather(pro_v.at[buf], [idx])
            return acc + _log_f32(p) * r

        acc = lax.fori_loop(0, CHUNK // L, inner, acc, unroll=4)

    stage_v[...] = acc * (-1.0 / B)
    pltpu.sync_copy(stage_v, out_hbm.at[pl.ds((c * NS + s) * L, L)])


def _sc_loss_partials(rewards, action, pro_flat):
    mesh = plsc.VectorSubcoreMesh(
        core_axis_name="c", subcore_axis_name="s",
        num_cores=NC, num_subcores=NS)
    return pl.kernel(
        _body,
        out_type=jax.ShapeDtypeStruct((NW * L,), jnp.float32),
        mesh=mesh,
        compiler_params=pltpu.CompilerParams(
            needs_layout_passes=False, use_tc_tiling_on_sc=False),
        scratch_types=[
            pltpu.VMEM((2, CHUNK), jnp.int32),
            pltpu.VMEM((2, CHUNK), jnp.float32),
            pltpu.VMEM((2, CHUNK * NUM_ACT), jnp.float32),
            pltpu.VMEM((L,), jnp.float32),
            pltpu.SemaphoreType.DMA((2,)),
        ],
    )(rewards, action, pro_flat)


def _tc_body(act_ref, rew_ref, pro_ref, out_ref):
    i = pl.program_id(0)
    a = act_ref[...]
    r = rew_ref[...]
    p4 = pro_ref[...].reshape(TC_RB, NUM_ACT, 128)
    psel = p4[:, 0, :]
    for j in range(1, NUM_ACT):
        psel = jnp.where(a == j, p4[:, j, :], psel)
    blk = jnp.sum(jnp.log(psel) * r)

    @pl.when(i == 0)
    def _():
        out_ref[0, 0] = blk

    @pl.when(i > 0)
    def _():
        out_ref[0, 0] += blk


def _tc_loss_tail(rewards2, action2, pro_perm2):
    blk0 = SC_ROWS // 128 // TC_RB
    return pl.pallas_call(
        _tc_body,
        grid=(TC_GRID,),
        in_specs=[
            pl.BlockSpec((TC_RB, 128), lambda i: (blk0 + i, 0)),
            pl.BlockSpec((TC_RB, 128), lambda i: (blk0 + i, 0)),
            pl.BlockSpec((TC_RB * NUM_ACT, 128), lambda i: (blk0 + i, 0)),
        ],
        out_specs=pl.BlockSpec((1, 1), lambda i: (0, 0),
                               memory_space=pltpu.SMEM),
        out_shape=jax.ShapeDtypeStruct((1, 1), jnp.float32),
    )(action2, rewards2, pro_perm2)


def kernel(rewards, action, pro):
    pro_perm = jnp.transpose(
        pro.reshape(B // 128, 128, NUM_ACT), (0, 2, 1)).reshape(-1)
    partials = _sc_loss_partials(rewards, action, pro_perm)
    tc_sum = _tc_loss_tail(rewards.reshape(B // 128, 128),
                           action.reshape(B // 128, 128),
                           pro_perm.reshape(B // 128 * NUM_ACT, 128))
    return jnp.sum(partials) - tc_sum[0, 0] * (1.0 / B)

# --- scband reference (transcript-rebuilt; emitter-appended) ---
"""Pipeline reference for scband-policy-gradient-loss-57604101374508 (READ-ONLY COPY).

The authoritative reference and input builder live on the scoring server;
editing this copy changes nothing except your own understanding.
"""

import jax, jax.numpy as jnp
import numpy as np

B = 1048576
NUM_ACTIONS = 4

def setup_inputs(seed: int = 0) -> dict:
    key = jax.random.key(seed)
    k1, k2, k3 = jax.random.split(key, 3)
    rewards = jax.random.uniform(k1, (B,), dtype=jnp.float32)
    action = jax.random.randint(k2, (B,), 0, NUM_ACTIONS, dtype=jnp.int64 if jax.config.jax_enable_x64 else jnp.int32).astype(jnp.int32)
    pro = jax.random.uniform(k3, (B, NUM_ACTIONS), dtype=jnp.float32)
    return {"rewards": rewards, "action": action, "pro": pro}

def reference(rewards, action, pro):
    n = pro.shape[0]
    # one_hot = zeros(B,4).scatter_(1, action.view(-1,1), 1)
    one_hot = jnp.zeros((n, NUM_ACTIONS), dtype=pro.dtype).at[jnp.arange(n), action].set(1.0)
    # rewards_metric = (one_hot.t() * rewards).t()  == one_hot * rewards[:, None]
    rewards_metric = (one_hot.T * rewards).T
    log_pro = jnp.log(pro)
    weighted = log_pro * rewards_metric
    # nn.NLLLoss(): loss = -mean_i weighted[i, action[i]]
    picked = jnp.take_along_axis(weighted, action[:, None], axis=1)[:, 0]
    loss = -jnp.mean(picked)
    return loss

if __name__ == "__main__":
    import jax
    _d = setup_inputs()
    print(jax.jit(kernel)(*tuple(_d.values())))

</pallas_src>

<mosaic_0001>
#map = affine_map<(d0, d1) -> (0)>
module attributes {stable_mosaic.version = 14 : i64} {
  func.func @_body(%arg0: i32, %arg1: i32, %arg2: memref<1048576xf32, #tpu.memory_space<hbm>>, %arg3: memref<1048576xi32, #tpu.memory_space<hbm>>, %arg4: memref<4194304xf32, #tpu.memory_space<hbm>>, %arg5: memref<512xf32, #tpu.memory_space<hbm>>, %arg6: memref<2x8192xi32, #tpu.memory_space<vmem>>, %arg7: memref<2x8192xf32, #tpu.memory_space<vmem>>, %arg8: memref<2x32768xf32, #tpu.memory_space<vmem>>, %arg9: memref<16xf32, #tpu.memory_space<vmem>>, %arg10: memref<2x!tpu.dma_semaphore, #tpu.memory_space<semaphore_mem>>) attributes {dimension_semantics = [#tpu.dimension_semantics<core_parallel>, #tpu.dimension_semantics<subcore_parallel>], iteration_bounds = array<i64: 2, 16>, scalar_prefetch = 0 : i64, scratch_operands = 5 : i64, tpu.core_type = #tpu.core_type<sc_vector_subcore>, window_params = [{transform_indices = #map}, {transform_indices = #map}, {transform_indices = #map}, {transform_indices = #map}]} {
    %mul3A = arith.constant 16 : i32
    %mul3A_0 = arith.muli %arg0, %mul3A : i32
    %add3A = arith.addi %mul3A_0, %arg1 : i32
    %mul3A_1 = arith.constant 16384 : i32
    %mul3A_2 = arith.muli %add3A, %mul3A_1 : i32
    %iota3A = tpu.iota {dimensions = array<i32: 0>} : vector<16xi32>
    %add3A_3 = arith.constant 0 : i32
    %add3A_4 = arith.addi %mul3A_2, %add3A_3 : i32
    %dma_start3A = arith.constant 0 : i32
    %dma_start3A_5 = arith.constant 0 : i32
    %dma_start3A_6 = arith.constant 0 : i32
    %dma_start3A_7 = tpu.memref_slice %arg6[%dma_start3A, %dma_start3A_6] : memref<2x8192xi32, #tpu.memory_space<vmem>> -> memref<1x8192xi32, #tpu.memory_space<vmem>>
    %dma_start3A_8 = tpu.memref_squeeze %dma_start3A_7 : memref<1x8192xi32, #tpu.memory_space<vmem>> -> memref<8192xi32, #tpu.memory_space<vmem>>
    %dma_start3A_9 = tpu.memref_slice %arg3[%add3A_4] : memref<1048576xi32, #tpu.memory_space<hbm>> -> memref<8192xi32, #tpu.memory_space<hbm>>
    %dma_start3A_10 = tpu.memref_slice %arg10[%dma_start3A_5] : memref<2x!tpu.dma_semaphore, #tpu.memory_space<semaphore_mem>> -> memref<1x!tpu.dma_semaphore, #tpu.memory_space<semaphore_mem>>
    %dma_start3A_11 = tpu.memref_squeeze %dma_start3A_10 : memref<1x!tpu.dma_semaphore, #tpu.memory_space<semaphore_mem>> -> memref<!tpu.dma_semaphore, #tpu.memory_space<semaphore_mem>>
    %dma_start3A_12 = arith.constant 0 : i32
    %dma_start3A_13 = tpu.memref_slice %arg6[%dma_start3A, %dma_start3A_12] : memref<2x8192xi32, #tpu.memory_space<vmem>> -> memref<1x8192xi32, #tpu.memory_space<vmem>>
    %dma_start3A_14 = tpu.memref_squeeze %dma_start3A_13 : memref<1x8192xi32, #tpu.memory_space<vmem>> -> memref<8192xi32, #tpu.memory_space<vmem>>
    %dma_start3A_15 = tpu.memref_slice %arg3[%add3A_4] : memref<1048576xi32, #tpu.memory_space<hbm>> -> memref<8192xi32, #tpu.memory_space<hbm>>
    tpu.enqueue_dma source(%dma_start3A_15 : memref<8192xi32, #tpu.memory_space<hbm>>) target(%dma_start3A_14 : memref<8192xi32, #tpu.memory_space<vmem>>) target_semaphore(%dma_start3A_11 : memref<!tpu.dma_semaphore, #tpu.memory_space<semaphore_mem>>)
    %dma_start3A_16 = arith.constant 0 : i32
    %dma_start3A_17 = arith.constant 0 : i32
    %dma_start3A_18 = arith.constant 0 : i32
    %dma_start3A_19 = tpu.memref_slice %arg7[%dma_start3A_16, %dma_start3A_18] : memref<2x8192xf32, #tpu.memory_space<vmem>> -> memref<1x8192xf32, #tpu.memory_space<vmem>>
    %dma_start3A_20 = tpu.memref_squeeze %dma_start3A_19 : memref<1x8192xf32, #tpu.memory_space<vmem>> -> memref<8192xf32, #tpu.memory_space<vmem>>
    %dma_start3A_21 = tpu.memref_slice %arg2[%add3A_4] : memref<1048576xf32, #tpu.memory_space<hbm>> -> memref<8192xf32, #tpu.memory_space<hbm>>
    %dma_start3A_22 = tpu.memref_slice %arg10[%dma_start3A_17] : memref<2x!tpu.dma_semaphore, #tpu.memory_space<semaphore_mem>> -> memref<1x!tpu.dma_semaphore, #tpu.memory_space<semaphore_mem>>
    %dma_start3A_23 = tpu.memref_squeeze %dma_start3A_22 : memref<1x!tpu.dma_semaphore, #tpu.memory_space<semaphore_mem>> -> memref<!tpu.dma_semaphore, #tpu.memory_space<semaphore_mem>>
    %dma_start3A_24 = arith.constant 0 : i32
    %dma_start3A_25 = tpu.memref_slice %arg7[%dma_start3A_16, %dma_start3A_24] : memref<2x8192xf32, #tpu.memory_space<vmem>> -> memref<1x8192xf32, #tpu.memory_space<vmem>>
    %dma_start3A_26 = tpu.memref_squeeze %dma_start3A_25 : memref<1x8192xf32, #tpu.memory_space<vmem>> -> memref<8192xf32, #tpu.memory_space<vmem>>
    %dma_start3A_27 = tpu.memref_slice %arg2[%add3A_4] : memref<1048576xf32, #tpu.memory_space<hbm>> -> memref<8192xf32, #tpu.memory_space<hbm>>
    tpu.enqueue_dma source(%dma_start3A_27 : memref<8192xf32, #tpu.memory_space<hbm>>) target(%dma_start3A_26 : memref<8192xf32, #tpu.memory_space<vmem>>) target_semaphore(%dma_start3A_23 : memref<!tpu.dma_semaphore, #tpu.memory_space<semaphore_mem>>)
    %mul3A_28 = arith.constant 4 : i32
    %mul3A_29 = arith.muli %add3A_4, %mul3A_28 : i32
    %dma_start3A_30 = arith.constant 0 : i32
    %dma_start3A_31 = arith.constant 0 : i32
    %dma_start3A_32 = arith.constant 0 : i32
    %dma_start3A_33 = tpu.memref_slice %arg8[%dma_start3A_30, %dma_start3A_32] : memref<2x32768xf32, #tpu.memory_space<vmem>> -> memref<1x32768xf32, #tpu.memory_space<vmem>>
    %dma_start3A_34 = tpu.memref_squeeze %dma_start3A_33 : memref<1x32768xf32, #tpu.memory_space<vmem>> -> memref<32768xf32, #tpu.memory_space<vmem>>
    %dma_start3A_35 = tpu.memref_slice %arg4[%mul3A_29] : memref<4194304xf32, #tpu.memory_space<hbm>> -> memref<32768xf32, #tpu.memory_space<hbm>>
    %dma_start3A_36 = tpu.memref_slice %arg10[%dma_start3A_31] : memref<2x!tpu.dma_semaphore, #tpu.memory_space<semaphore_mem>> -> memref<1x!tpu.dma_semaphore, #tpu.memory_space<semaphore_mem>>
    %dma_start3A_37 = tpu.memref_squeeze %dma_start3A_36 : memref<1x!tpu.dma_semaphore, #tpu.memory_space<semaphore_mem>> -> memref<!tpu.dma_semaphore, #tpu.memory_space<semaphore_mem>>
    %dma_start3A_38 = arith.constant 0 : i32
    %dma_start3A_39 = tpu.memref_slice %arg8[%dma_start3A_30, %dma_start3A_38] : memref<2x32768xf32, #tpu.memory_space<vmem>> -> memref<1x32768xf32, #tpu.memory_space<vmem>>
    %dma_start3A_40 = tpu.memref_squeeze %dma_start3A_39 : memref<1x32768xf32, #tpu.memory_space<vmem>> -> memref<32768xf32, #tpu.memory_space<vmem>>
    %dma_start3A_41 = tpu.memref_slice %arg4[%mul3A_29] : memref<4194304xf32, #tpu.memory_space<hbm>> -> memref<32768xf32, #tpu.memory_space<hbm>>
    tpu.enqueue_dma source(%dma_start3A_41 : memref<32768xf32, #tpu.memory_space<hbm>>) target(%dma_start3A_40 : memref<32768xf32, #tpu.memory_space<vmem>>) target_semaphore(%dma_start3A_37 : memref<!tpu.dma_semaphore, #tpu.memory_space<semaphore_mem>>)
    %broadcast_in_dim3A = arith.constant 0.000000e+00 : f32
    %broadcast_in_dim3A_42 = vector.broadcast %broadcast_in_dim3A : f32 to vector<16xf32>
    %dma_wait3A = arith.constant 0 : i32
    %dma_wait3A_43 = arith.constant 0 : i32
    %dma_wait3A_44 = arith.constant 0 : i32
    %dma_wait3A_45 = tpu.memref_slice %arg6[%dma_wait3A, %dma_wait3A_44] : memref<2x8192xi32, #tpu.memory_space<vmem>> -> memref<1x8192xi32, #tpu.memory_space<vmem>>
    %dma_wait3A_46 = tpu.memref_squeeze %dma_wait3A_45 : memref<1x8192xi32, #tpu.memory_space<vmem>> -> memref<8192xi32, #tpu.memory_space<vmem>>
    %dma_wait3A_47 = tpu.memref_slice %arg3[%add3A_4] : memref<1048576xi32, #tpu.memory_space<hbm>> -> memref<8192xi32, #tpu.memory_space<hbm>>
    %dma_wait3A_48 = tpu.memref_slice %arg10[%dma_wait3A_43] : memref<2x!tpu.dma_semaphore, #tpu.memory_space<semaphore_mem>> -> memref<1x!tpu.dma_semaphore, #tpu.memory_space<semaphore_mem>>
    %dma_wait3A_49 = tpu.memref_squeeze %dma_wait3A_48 : memref<1x!tpu.dma_semaphore, #tpu.memory_space<semaphore_mem>> -> memref<!tpu.dma_semaphore, #tpu.memory_space<semaphore_mem>>
    %dma_wait3A_50 = arith.constant 0 : i32
    %dma_wait3A_51 = tpu.memref_slice %arg6[%dma_wait3A, %dma_wait3A_50] : memref<2x8192xi32, #tpu.memory_space<vmem>> -> memref<1x8192xi32, #tpu.memory_space<vmem>>
    %dma_wait3A_52 = tpu.memref_squeeze %dma_wait3A_51 : memref<1x8192xi32, #tpu.memory_space<vmem>> -> memref<8192xi32, #tpu.memory_space<vmem>>
    %dma_wait3A_53 = tpu.memref_slice %arg3[%add3A_4] : memref<1048576xi32, #tpu.memory_space<hbm>> -> memref<8192xi32, #tpu.memory_space<hbm>>
    tpu.wait_dma2 semaphore(%dma_wait3A_49 : memref<!tpu.dma_semaphore, #tpu.memory_space<semaphore_mem>>) src(%dma_wait3A_53 : memref<8192xi32, #tpu.memory_space<hbm>>) dst(%dma_wait3A_52 : memref<8192xi32, #tpu.memory_space<vmem>>)
    %dma_wait3A_54 = arith.constant 0 : i32
    %dma_wait3A_55 = arith.constant 0 : i32
    %dma_wait3A_56 = arith.constant 0 : i32
    %dma_wait3A_57 = tpu.memref_slice %arg7[%dma_wait3A_54, %dma_wait3A_56] : memref<2x8192xf32, #tpu.memory_space<vmem>> -> memref<1x8192xf32, #tpu.memory_space<vmem>>
    %dma_wait3A_58 = tpu.memref_squeeze %dma_wait3A_57 : memref<1x8192xf32, #tpu.memory_space<vmem>> -> memref<8192xf32, #tpu.memory_space<vmem>>
    %dma_wait3A_59 = tpu.memref_slice %arg2[%add3A_4] : memref<1048576xf32, #tpu.memory_space<hbm>> -> memref<8192xf32, #tpu.memory_space<hbm>>
    %dma_wait3A_60 = tpu.memref_slice %arg10[%dma_wait3A_55] : memref<2x!tpu.dma_semaphore, #tpu.memory_space<semaphore_mem>> -> memref<1x!tpu.dma_semaphore, #tpu.memory_space<semaphore_mem>>
    %dma_wait3A_61 = tpu.memref_squeeze %dma_wait3A_60 : memref<1x!tpu.dma_semaphore, #tpu.memory_space<semaphore_mem>> -> memref<!tpu.dma_semaphore, #tpu.memory_space<semaphore_mem>>
    %dma_wait3A_62 = arith.constant 0 : i32
    %dma_wait3A_63 = tpu.memref_slice %arg7[%dma_wait3A_54, %dma_wait3A_62] : memref<2x8192xf32, #tpu.memory_space<vmem>> -> memref<1x8192xf32, #tpu.memory_space<vmem>>
    %dma_wait3A_64 = tpu.memref_squeeze %dma_wait3A_63 : memref<1x8192xf32, #tpu.memory_space<vmem>> -> memref<8192xf32, #tpu.memory_space<vmem>>
    %dma_wait3A_65 = tpu.memref_slice %arg2[%add3A_4] : memref<1048576xf32, #tpu.memory_space<hbm>> -> memref<8192xf32, #tpu.memory_space<hbm>>
    tpu.wait_dma2 semaphore(%dma_wait3A_61 : memref<!tpu.dma_semaphore, #tpu.memory_space<semaphore_mem>>) src(%dma_wait3A_65 : memref<8192xf32, #tpu.memory_space<hbm>>) dst(%dma_wait3A_64 : memref<8192xf32, #tpu.memory_space<vmem>>)
    %dma_wait3A_66 = arith.constant 0 : i32
    %dma_wait3A_67 = arith.constant 0 : i32
    %dma_wait3A_68 = arith.constant 0 : i32
    %dma_wait3A_69 = tpu.memref_slice %arg8[%dma_wait3A_66, %dma_wait3A_68] : memref<2x32768xf32, #tpu.memory_space<vmem>> -> memref<1x32768xf32, #tpu.memory_space<vmem>>
    %dma_wait3A_70 = tpu.memref_squeeze %dma_wait3A_69 : memref<1x32768xf32, #tpu.memory_space<vmem>> -> memref<32768xf32, #tpu.memory_space<vmem>>
    %dma_wait3A_71 = tpu.memref_slice %arg4[%mul3A_29] : memref<4194304xf32, #tpu.memory_space<hbm>> -> memref<32768xf32, #tpu.memory_space<hbm>>
    %dma_wait3A_72 = tpu.memref_slice %arg10[%dma_wait3A_67] : memref<2x!tpu.dma_semaphore, #tpu.memory_space<semaphore_mem>> -> memref<1x!tpu.dma_semaphore, #tpu.memory_space<semaphore_mem>>
    %dma_wait3A_73 = tpu.memref_squeeze %dma_wait3A_72 : memref<1x!tpu.dma_semaphore, #tpu.memory_space<semaphore_mem>> -> memref<!tpu.dma_semaphore, #tpu.memory_space<semaphore_mem>>
    %dma_wait3A_74 = arith.constant 0 : i32
    %dma_wait3A_75 = tpu.memref_slice %arg8[%dma_wait3A_66, %dma_wait3A_74] : memref<2x32768xf32, #tpu.memory_space<vmem>> -> memref<1x32768xf32, #tpu.memory_space<vmem>>
    %dma_wait3A_76 = tpu.memref_squeeze %dma_wait3A_75 : memref<1x32768xf32, #tpu.memory_space<vmem>> -> memref<32768xf32, #tpu.memory_space<vmem>>
    %dma_wait3A_77 = tpu.memref_slice %arg4[%mul3A_29] : memref<4194304xf32, #tpu.memory_space<hbm>> -> memref<32768xf32, #tpu.memory_space<hbm>>
    tpu.wait_dma2 semaphore(%dma_wait3A_73 : memref<!tpu.dma_semaphore, #tpu.memory_space<semaphore_mem>>) src(%dma_wait3A_77 : memref<32768xf32, #tpu.memory_space<hbm>>) dst(%dma_wait3A_76 : memref<32768xf32, #tpu.memory_space<vmem>>)
    %add3A_78 = arith.constant 8192 : i32
    %add3A_79 = arith.addi %mul3A_2, %add3A_78 : i32
    %dma_start3A_80 = arith.constant 1 : i32
    %dma_start3A_81 = arith.constant 1 : i32
    %dma_start3A_82 = arith.constant 0 : i32
    %dma_start3A_83 = tpu.memref_slice %arg6[%dma_start3A_80, %dma_start3A_82] : memref<2x8192xi32, #tpu.memory_space<vmem>> -> memref<1x8192xi32, #tpu.memory_space<vmem>>
    %dma_start3A_84 = tpu.memref_squeeze %dma_start3A_83 : memref<1x8192xi32, #tpu.memory_space<vmem>> -> memref<8192xi32, #tpu.memory_space<vmem>>
    %dma_start3A_85 = tpu.memref_slice %arg3[%add3A_79] : memref<1048576xi32, #tpu.memory_space<hbm>> -> memref<8192xi32, #tpu.memory_space<hbm>>
    %dma_start3A_86 = tpu.memref_slice %arg10[%dma_start3A_81] : memref<2x!tpu.dma_semaphore, #tpu.memory_space<semaphore_mem>> -> memref<1x!tpu.dma_semaphore, #tpu.memory_space<semaphore_mem>>
    %dma_start3A_87 = tpu.memref_squeeze %dma_start3A_86 : memref<1x!tpu.dma_semaphore, #tpu.memory_space<semaphore_mem>> -> memref<!tpu.dma_semaphore, #tpu.memory_space<semaphore_mem>>
    %dma_start3A_88 = arith.constant 0 : i32
    %dma_start3A_89 = tpu.memref_slice %arg6[%dma_start3A_80, %dma_start3A_88] : memref<2x8192xi32, #tpu.memory_space<vmem>> -> memref<1x8192xi32, #tpu.memory_space<vmem>>
    %dma_start3A_90 = tpu.memref_squeeze %dma_start3A_89 : memref<1x8192xi32, #tpu.memory_space<vmem>> -> memref<8192xi32, #tpu.memory_space<vmem>>
    %dma_start3A_91 = tpu.memref_slice %arg3[%add3A_79] : memref<1048576xi32, #tpu.memory_space<hbm>> -> memref<8192xi32, #tpu.memory_space<hbm>>
    tpu.enqueue_dma source(%dma_start3A_91 : memref<8192xi32, #tpu.memory_space<hbm>>) target(%dma_start3A_90 : memref<8192xi32, #tpu.memory_space<vmem>>) target_semaphore(%dma_start3A_87 : memref<!tpu.dma_semaphore, #tpu.memory_space<semaphore_mem>>)
    %dma_start3A_92 = arith.constant 1 : i32
    %dma_start3A_93 = arith.constant 1 : i32
    %dma_start3A_94 = arith.constant 0 : i32
    %dma_start3A_95 = tpu.memref_slice %arg7[%dma_start3A_92, %dma_start3A_94] : memref<2x8192xf32, #tpu.memory_space<vmem>> -> memref<1x8192xf32, #tpu.memory_space<vmem>>
    %dma_start3A_96 = tpu.memref_squeeze %dma_start3A_95 : memref<1x8192xf32, #tpu.memory_space<vmem>> -> memref<8192xf32, #tpu.memory_space<vmem>>
    %dma_start3A_97 = tpu.memref_slice %arg2[%add3A_79] : memref<1048576xf32, #tpu.memory_space<hbm>> -> memref<8192xf32, #tpu.memory_space<hbm>>
    %dma_start3A_98 = tpu.memref_slice %arg10[%dma_start3A_93] : memref<2x!tpu.dma_semaphore, #tpu.memory_space<semaphore_mem>> -> memref<1x!tpu.dma_semaphore, #tpu.memory_space<semaphore_mem>>
    %dma_start3A_99 = tpu.memref_squeeze %dma_start3A_98 : memref<1x!tpu.dma_semaphore, #tpu.memory_space<semaphore_mem>> -> memref<!tpu.dma_semaphore, #tpu.memory_space<semaphore_mem>>
    %dma_start3A_100 = arith.constant 0 : i32
    %dma_start3A_101 = tpu.memref_slice %arg7[%dma_start3A_92, %dma_start3A_100] : memref<2x8192xf32, #tpu.memory_space<vmem>> -> memref<1x8192xf32, #tpu.memory_space<vmem>>
    %dma_start3A_102 = tpu.memref_squeeze %dma_start3A_101 : memref<1x8192xf32, #tpu.memory_space<vmem>> -> memref<8192xf32, #tpu.memory_space<vmem>>
    %dma_start3A_103 = tpu.memref_slice %arg2[%add3A_79] : memref<1048576xf32, #tpu.memory_space<hbm>> -> memref<8192xf32, #tpu.memory_space<hbm>>
    tpu.enqueue_dma source(%dma_start3A_103 : memref<8192xf32, #tpu.memory_space<hbm>>) target(%dma_start3A_102 : memref<8192xf32, #tpu.memory_space<vmem>>) target_semaphore(%dma_start3A_99 : memref<!tpu.dma_semaphore, #tpu.memory_space<semaphore_mem>>)
    %mul3A_104 = arith.constant 4 : i32
    %mul3A_105 = arith.muli %add3A_79, %mul3A_104 : i32
    %dma_start3A_106 = arith.constant 1 : i32
    %dma_start3A_107 = arith.constant 1 : i32
    %dma_start3A_108 = arith.constant 0 : i32
    %dma_start3A_109 = tpu.memref_slice %arg8[%dma_start3A_106, %dma_start3A_108] : memref<2x32768xf32, #tpu.memory_space<vmem>> -> memref<1x32768xf32, #tpu.memory_space<vmem>>
    %dma_start3A_110 = tpu.memref_squeeze %dma_start3A_109 : memref<1x32768xf32, #tpu.memory_space<vmem>> -> memref<32768xf32, #tpu.memory_space<vmem>>
    %dma_start3A_111 = tpu.memref_slice %arg4[%mul3A_105] : memref<4194304xf32, #tpu.memory_space<hbm>> -> memref<32768xf32, #tpu.memory_space<hbm>>
    %dma_start3A_112 = tpu.memref_slice %arg10[%dma_start3A_107] : memref<2x!tpu.dma_semaphore, #tpu.memory_space<semaphore_mem>> -> memref<1x!tpu.dma_semaphore, #tpu.memory_space<semaphore_mem>>
    %dma_start3A_113 = tpu.memref_squeeze %dma_start3A_112 : memref<1x!tpu.dma_semaphore, #tpu.memory_space<semaphore_mem>> -> memref<!tpu.dma_semaphore, #tpu.memory_space<semaphore_mem>>
    %dma_start3A_114 = arith.constant 0 : i32
    %dma_start3A_115 = tpu.memref_slice %arg8[%dma_start3A_106, %dma_start3A_114] : memref<2x32768xf32, #tpu.memory_space<vmem>> -> memref<1x32768xf32, #tpu.memory_space<vmem>>
    %dma_start3A_116 = tpu.memref_squeeze %dma_start3A_115 : memref<1x32768xf32, #tpu.memory_space<vmem>> -> memref<32768xf32, #tpu.memory_space<vmem>>
    %dma_start3A_117 = tpu.memref_slice %arg4[%mul3A_105] : memref<4194304xf32, #tpu.memory_space<hbm>> -> memref<32768xf32, #tpu.memory_space<hbm>>
    tpu.enqueue_dma source(%dma_start3A_117 : memref<32768xf32, #tpu.memory_space<hbm>>) target(%dma_start3A_116 : memref<32768xf32, #tpu.memory_space<vmem>>) target_semaphore(%dma_start3A_113 : memref<!tpu.dma_semaphore, #tpu.memory_space<semaphore_mem>>)
    %scan3A = arith.constant 0 : i32
    %scan3A_118 = arith.constant 512 : i32
    %scan3A_119 = arith.addi %scan3A, %scan3A_118 : i32
    %scan3A_120 = arith.constant 4 : i32
    %scan3A_121 = scf.for %scan3A_174 = %scan3A to %scan3A_119 step %scan3A_120 iter_args(%scan3A_175 = %broadcast_in_dim3A_42) -> (vector<16xf32>)  : i32 {
      %mul3A_176 = arith.constant 16 : i32
      %mul3A_177 = arith.muli %scan3A_174, %mul3A_176 : i32
      %get3A = arith.constant 0 : i32
      %get3A_178 = arith.index_cast %get3A : i32 to index
      %get3A_179 = arith.index_cast %mul3A_177 : i32 to index
      %get3A_180 = tpu.vector_load %arg6[%get3A_178, %get3A_179] {strides = array<i32>} : memref<2x8192xi32, #tpu.memory_space<vmem>>, vector<16xi32>,
      %mul3A_181 = arith.constant 16 : i32
      %mul3A_182 = arith.muli %scan3A_174, %mul3A_181 : i32
      %get3A_183 = arith.constant 0 : i32
      %get3A_184 = arith.index_cast %get3A_183 : i32 to index
      %get3A_185 = arith.index_cast %mul3A_182 : i32 to index
      %get3A_186 = tpu.vector_load %arg7[%get3A_184, %get3A_185] {strides = array<i32>} : memref<2x8192xf32, #tpu.memory_space<vmem>>, vector<16xf32>,
      %shift_right_arithmetic3A = arith.constant 3 : i32
      %shift_right_arithmetic3A_187 = arith.shrsi %scan3A_174, %shift_right_arithmetic3A : i32
      %shift_left3A = arith.constant 9 : i32
      %shift_left3A_188 = arith.shli %shift_right_arithmetic3A_187, %shift_left3A : i32
      %and3A = arith.constant 7 : i32
      %and3A_189 = arith.andi %scan3A_174, %and3A : i32
      %shift_left3A_190 = arith.constant 4 : i32
      %shift_left3A_191 = arith.shli %and3A_189, %shift_left3A_190 : i32
      %or3A = arith.ori %shift_left3A_188, %shift_left3A_191 : i32
      %shift_left3A_192 = arith.constant 7 : i32
      %shift_left3A_193 = vector.broadcast %shift_left3A_192 : i32 to vector<16xi32>
      %shift_left3A_194 = arith.shli %get3A_180, %shift_left3A_193 : vector<16xi32>
      %add3A_195 = arith.addi %shift_left3A_194, %iota3A : vector<16xi32>
      %add3A_196 = vector.broadcast %or3A : i32 to vector<16xi32>
      %add3A_197 = arith.addi %add3A_195, %add3A_196 : vector<16xi32>
      %gather3A = arith.constant 0 : i32
      %gather3A_198 = arith.constant 0 : i32
      %gather3A_199 = tpu.memref_slice %arg8[%gather3A, %gather3A_198] : memref<2x32768xf32, #tpu.memory_space<vmem>> -> memref<1x32768xf32, #tpu.memory_space<vmem>>
      %gather3A_200 = tpu.memref_squeeze %gather3A_199 : memref<1x32768xf32, #tpu.memory_space<vmem>> -> memref<32768xf32, #tpu.memory_space<vmem>>
      %gather3A_201 = tpu.vector_load_idx %gather3A_200[%add3A_197] : memref<32768xf32, #tpu.memory_space<vmem>>[vector<16xi32>], vector<16xf32>,
      %bitcast3A = vector.bitcast %gather3A_201 : vector<16xf32> to vector<16xi32>
      %shift_right_arithmetic3A_202 = arith.constant 23 : i32
      %shift_right_arithmetic3A_203 = vector.broadcast %shift_right_arithmetic3A_202 : i32 to vector<16xi32>
      %shift_right_arithmetic3A_204 = arith.shrsi %bitcast3A, %shift_right_arithmetic3A_203 : vector<16xi32>
      %convert_element_type3A = arith.sitofp %shift_right_arithmetic3A_204 : vector<16xi32> to vector<16xf32>
      %and3A_205 = arith.constant 8388607 : i32
      %and3A_206 = vector.broadcast %and3A_205 : i32 to vector<16xi32>
      %and3A_207 = arith.andi %bitcast3A, %and3A_206 : vector<16xi32>
      %or3A_208 = arith.constant 1065353216 : i32
      %or3A_209 = vector.broadcast %or3A_208 : i32 to vector<16xi32>
      %or3A_210 = arith.ori %and3A_207, %or3A_209 : vector<16xi32>
      %bitcast3A_211 = vector.bitcast %or3A_210 : vector<16xi32> to vector<16xf32>
      %mul3A_212 = arith.constant 0.0301022492 : f32
      %mul3A_213 = vector.broadcast %mul3A_212 : f32 to vector<16xf32>
      %mul3A_214 = arith.mulf %mul3A_213, %bitcast3A_211 : vector<16xf32>
      %add3A_215 = arith.constant -0.280629158 : f32
      %add3A_216 = vector.broadcast %add3A_215 : f32 to vector<16xf32>
      %add3A_217 = arith.addf %mul3A_214, %add3A_216 : vector<16xf32>
      %mul3A_218 = arith.mulf %add3A_217, %bitcast3A_211 : vector<16xf32>
      %add3A_219 = arith.constant 1.10479653 : f32
      %add3A_220 = vector.broadcast %add3A_219 : f32 to vector<16xf32>
      %add3A_221 = arith.addf %mul3A_218, %add3A_220 : vector<16xf32>
      %mul3A_222 = arith.mulf %add3A_221, %bitcast3A_211 : vector<16xf32>
      %add3A_223 = arith.constant -2.42079306 : f32
      %add3A_224 = vector.broadcast %add3A_223 : f32 to vector<16xf32>
      %add3A_225 = arith.addf %mul3A_222, %add3A_224 : vector<16xf32>
      %mul3A_226 = arith.mulf %add3A_225, %bitcast3A_211 : vector<16xf32>
      %add3A_227 = arith.constant 3.49821186 : f32
      %add3A_228 = vector.broadcast %add3A_227 : f32 to vector<16xf32>
      %add3A_229 = arith.addf %mul3A_226, %add3A_228 : vector<16xf32>
      %mul3A_230 = arith.mulf %add3A_229, %bitcast3A_211 : vector<16xf32>
      %add3A_231 = arith.constant -89.9613571 : f32
      %add3A_232 = vector.broadcast %add3A_231 : f32 to vector<16xf32>
      %add3A_233 = arith.addf %mul3A_230, %add3A_232 : vector<16xf32>
      %mul3A_234 = arith.constant 0.693147182 : f32
      %mul3A_235 = vector.broadcast %mul3A_234 : f32 to vector<16xf32>
      %mul3A_236 = arith.mulf %convert_element_type3A, %mul3A_235 : vector<16xf32>
      %add3A_237 = arith.addf %mul3A_236, %add3A_233 : vector<16xf32>
      %eq3A = arith.constant 0.000000e+00 : f32
      %eq3A_238 = vector.broadcast %eq3A : f32 to vector<16xf32>
      %eq3A_239 = arith.cmpf oeq, %gather3A_201, %eq3A_238 : vector<16xf32>
      %jit3A = arith.constant 0xFF800000 : f32
      %broadcast_in_dim3A_240 = vector.broadcast %jit3A : f32 to vector<16xf32>
      %select_n3A = arith.select %eq3A_239, %broadcast_in_dim3A_240, %add3A_237 : vector<16xi1>, vector<16xf32>
      %mul3A_241 = arith.mulf %select_n3A, %get3A_186 : vector<16xf32>
      %add3A_242 = arith.addf %scan3A_175, %mul3A_241 : vector<16xf32>
      %scan3A_243 = arith.constant 1 : i32
      %scan3A_244 = arith.addi %scan3A_174, %scan3A_243 : i32
      %mul3A_245 = arith.constant 16 : i32
      %mul3A_246 = arith.muli %scan3A_244, %mul3A_245 : i32
      %get3A_247 = arith.constant 0 : i32
      %get3A_248 = arith.index_cast %get3A_247 : i32 to index
      %get3A_249 = arith.index_cast %mul3A_246 : i32 to index
      %get3A_250 = tpu.vector_load %arg6[%get3A_248, %get3A_249] {strides = array<i32>} : memref<2x8192xi32, #tpu.memory_space<vmem>>, vector<16xi32>,
      %mul3A_251 = arith.constant 16 : i32
      %mul3A_252 = arith.muli %scan3A_244, %mul3A_251 : i32
      %get3A_253 = arith.constant 0 : i32
      %get3A_254 = arith.index_cast %get3A_253 : i32 to index
      %get3A_255 = arith.index_cast %mul3A_252 : i32 to index
      %get3A_256 = tpu.vector_load %arg7[%get3A_254, %get3A_255] {strides = array<i32>} : memref<2x8192xf32, #tpu.memory_space<vmem>>, vector<16xf32>,
      %shift_right_arithmetic3A_257 = arith.constant 3 : i32
      %shift_right_arithmetic3A_258 = arith.shrsi %scan3A_244, %shift_right_arithmetic3A_257 : i32
      %shift_left3A_259 = arith.constant 9 : i32
      %shift_left3A_260 = arith.shli %shift_right_arithmetic3A_258, %shift_left3A_259 : i32
      %and3A_261 = arith.constant 7 : i32
      %and3A_262 = arith.andi %scan3A_244, %and3A_261 : i32
      %shift_left3A_263 = arith.constant 4 : i32
      %shift_left3A_264 = arith.shli %and3A_262, %shift_left3A_263 : i32
      %or3A_265 = arith.ori %shift_left3A_260, %shift_left3A_264 : i32
      %shift_left3A_266 = arith.constant 7 : i32
      %shift_left3A_267 = vector.broadcast %shift_left3A_266 : i32 to vector<16xi32>
      %shift_left3A_268 = arith.shli %get3A_250, %shift_left3A_267 : vector<16xi32>
      %add3A_269 = arith.addi %shift_left3A_268, %iota3A : vector<16xi32>
      %add3A_270 = vector.broadcast %or3A_265 : i32 to vector<16xi32>
      %add3A_271 = arith.addi %add3A_269, %add3A_270 : vector<16xi32>
      %gather3A_272 = arith.constant 0 : i32
      %gather3A_273 = arith.constant 0 : i32
      %gather3A_274 = tpu.memref_slice %arg8[%gather3A_272, %gather3A_273] : memref<2x32768xf32, #tpu.memory_space<vmem>> -> memref<1x32768xf32, #tpu.memory_space<vmem>>
      %gather3A_275 = tpu.memref_squeeze %gather3A_274 : memref<1x32768xf32, #tpu.memory_space<vmem>> -> memref<32768xf32, #tpu.memory_space<vmem>>
      %gather3A_276 = tpu.vector_load_idx %gather3A_275[%add3A_271] : memref<32768xf32, #tpu.memory_space<vmem>>[vector<16xi32>], vector<16xf32>,
      %bitcast3A_277 = vector.bitcast %gather3A_276 : vector<16xf32> to vector<16xi32>
      %shift_right_arithmetic3A_278 = arith.constant 23 : i32
      %shift_right_arithmetic3A_279 = vector.broadcast %shift_right_arithmetic3A_278 : i32 to vector<16xi32>
      %shift_right_arithmetic3A_280 = arith.shrsi %bitcast3A_277, %shift_right_arithmetic3A_279 : vector<16xi32>
      %convert_element_type3A_281 = arith.sitofp %shift_right_arithmetic3A_280 : vector<16xi32> to vector<16xf32>
      %and3A_282 = arith.constant 8388607 : i32
      %and3A_283 = vector.broadcast %and3A_282 : i32 to vector<16xi32>
      %and3A_284 = arith.andi %bitcast3A_277, %and3A_283 : vector<16xi32>
      %or3A_285 = arith.constant 1065353216 : i32
      %or3A_286 = vector.broadcast %or3A_285 : i32 to vector<16xi32>
      %or3A_287 = arith.ori %and3A_284, %or3A_286 : vector<16xi32>
      %bitcast3A_288 = vector.bitcast %or3A_287 : vector<16xi32> to vector<16xf32>
      %mul3A_289 = arith.constant 0.0301022492 : f32
      %mul3A_290 = vector.broadcast %mul3A_289 : f32 to vector<16xf32>
      %mul3A_291 = arith.mulf %mul3A_290, %bitcast3A_288 : vector<16xf32>
      %add3A_292 = arith.constant -0.280629158 : f32
      %add3A_293 = vector.broadcast %add3A_292 : f32 to vector<16xf32>
      %add3A_294 = arith.addf %mul3A_291, %add3A_293 : vector<16xf32>
      %mul3A_295 = arith.mulf %add3A_294, %bitcast3A_288 : vector<16xf32>
      %add3A_296 = arith.constant 1.10479653 : f32
      %add3A_297 = vector.broadcast %add3A_296 : f32 to vector<16xf32>
      %add3A_298 = arith.addf %mul3A_295, %add3A_297 : vector<16xf32>
      %mul3A_299 = arith.mulf %add3A_298, %bitcast3A_288 : vector<16xf32>
      %add3A_300 = arith.constant -2.42079306 : f32
      %add3A_301 = vector.broadcast %add3A_300 : f32 to vector<16xf32>
      %add3A_302 = arith.addf %mul3A_299, %add3A_301 : vector<16xf32>
      %mul3A_303 = arith.mulf %add3A_302, %bitcast3A_288 : vector<16xf32>
      %add3A_304 = arith.constant 3.49821186 : f32
      %add3A_305 = vector.broadcast %add3A_304 : f32 to vector<16xf32>
      %add3A_306 = arith.addf %mul3A_303, %add3A_305 : vector<16xf32>
      %mul3A_307 = arith.mulf %add3A_306, %bitcast3A_288 : vector<16xf32>
      %add3A_308 = arith.constant -89.9613571 : f32
      %add3A_309 = vector.broadcast %add3A_308 : f32 to vector<16xf32>
      %add3A_310 = arith.addf %mul3A_307, %add3A_309 : vector<16xf32>
      %mul3A_311 = arith.constant 0.693147182 : f32
      %mul3A_312 = vector.broadcast %mul3A_311 : f32 to vector<16xf32>
      %mul3A_313 = arith.mulf %convert_element_type3A_281, %mul3A_312 : vector<16xf32>
      %add3A_314 = arith.addf %mul3A_313, %add3A_310 : vector<16xf32>
      %eq3A_315 = arith.constant 0.000000e+00 : f32
      %eq3A_316 = vector.broadcast %eq3A_315 : f32 to vector<16xf32>
      %eq3A_317 = arith.cmpf oeq, %gather3A_276, %eq3A_316 : vector<16xf32>
      %jit3A_318 = arith.constant 0xFF800000 : f32
      %broadcast_in_dim3A_319 = vector.broadcast %jit3A_318 : f32 to vector<16xf32>
      %select_n3A_320 = arith.select %eq3A_317, %broadcast_in_dim3A_319, %add3A_314 : vector<16xi1>, vector<16xf32>
      %mul3A_321 = arith.mulf %select_n3A_320, %get3A_256 : vector<16xf32>
      %add3A_322 = arith.addf %add3A_242, %mul3A_321 : vector<16xf32>
      %scan3A_323 = arith.constant 2 : i32
      %scan3A_324 = arith.addi %scan3A_174, %scan3A_323 : i32
      %mul3A_325 = arith.constant 16 : i32
      %mul3A_326 = arith.muli %scan3A_324, %mul3A_325 : i32
      %get3A_327 = arith.constant 0 : i32
      %get3A_328 = arith.index_cast %get3A_327 : i32 to index
      %get3A_329 = arith.index_cast %mul3A_326 : i32 to index
      %get3A_330 = tpu.vector_load %arg6[%get3A_328, %get3A_329] {strides = array<i32>} : memref<2x8192xi32, #tpu.memory_space<vmem>>, vector<16xi32>,
      %mul3A_331 = arith.constant 16 : i32
      %mul3A_332 = arith.muli %scan3A_324, %mul3A_331 : i32
      %get3A_333 = arith.constant 0 : i32
      %get3A_334 = arith.index_cast %get3A_333 : i32 to index
      %get3A_335 = arith.index_cast %mul3A_332 : i32 to index
      %get3A_336 = tpu.vector_load %arg7[%get3A_334, %get3A_335] {strides = array<i32>} : memref<2x8192xf32, #tpu.memory_space<vmem>>, vector<16xf32>,
      %shift_right_arithmetic3A_337 = arith.constant 3 : i32
      %shift_right_arithmetic3A_338 = arith.shrsi %scan3A_324, %shift_right_arithmetic3A_337 : i32
      %shift_left3A_339 = arith.constant 9 : i32
      %shift_left3A_340 = arith.shli %shift_right_arithmetic3A_338, %shift_left3A_339 : i32
      %and3A_341 = arith.constant 7 : i32
      %and3A_342 = arith.andi %scan3A_324, %and3A_341 : i32
      %shift_left3A_343 = arith.constant 4 : i32
      %shift_left3A_344 = arith.shli %and3A_342, %shift_left3A_343 : i32
      %or3A_345 = arith.ori %shift_left3A_340, %shift_left3A_344 : i32
      %shift_left3A_346 = arith.constant 7 : i32
      %shift_left3A_347 = vector.broadcast %shift_left3A_346 : i32 to vector<16xi32>
      %shift_left3A_348 = arith.shli %get3A_330, %shift_left3A_347 : vector<16xi32>
      %add3A_349 = arith.addi %shift_left3A_348, %iota3A : vector<16xi32>
      %add3A_350 = vector.broadcast %or3A_345 : i32 to vector<16xi32>
      %add3A_351 = arith.addi %add3A_349, %add3A_350 : vector<16xi32>
      %gather3A_352 = arith.constant 0 : i32
      %gather3A_353 = arith.constant 0 : i32
      %gather3A_354 = tpu.memref_slice %arg8[%gather3A_352, %gather3A_353] : memref<2x32768xf32, #tpu.memory_space<vmem>> -> memref<1x32768xf32, #tpu.memory_space<vmem>>
      %gather3A_355 = tpu.memref_squeeze %gather3A_354 : memref<1x32768xf32, #tpu.memory_space<vmem>> -> memref<32768xf32, #tpu.memory_space<vmem>>
      %gather3A_356 = tpu.vector_load_idx %gather3A_355[%add3A_351] : memref<32768xf32, #tpu.memory_space<vmem>>[vector<16xi32>], vector<16xf32>,
      %bitcast3A_357 = vector.bitcast %gather3A_356 : vector<16xf32> to vector<16xi32>
      %shift_right_arithmetic3A_358 = arith.constant 23 : i32
      %shift_right_arithmetic3A_359 = vector.broadcast %shift_right_arithmetic3A_358 : i32 to vector<16xi32>
      %shift_right_arithmetic3A_360 = arith.shrsi %bitcast3A_357, %shift_right_arithmetic3A_359 : vector<16xi32>
      %convert_element_type3A_361 = arith.sitofp %shift_right_arithmetic3A_360 : vector<16xi32> to vector<16xf32>
      %and3A_362 = arith.constant 8388607 : i32
      %and3A_363 = vector.broadcast %and3A_362 : i32 to vector<16xi32>
      %and3A_364 = arith.andi %bitcast3A_357, %and3A_363 : vector<16xi32>
      %or3A_365 = arith.constant 1065353216 : i32
      %or3A_366 = vector.broadcast %or3A_365 : i32 to vector<16xi32>
      %or3A_367 = arith.ori %and3A_364, %or3A_366 : vector<16xi32>
      %bitcast3A_368 = vector.bitcast %or3A_367 : vector<16xi32> to vector<16xf32>
      %mul3A_369 = arith.constant 0.0301022492 : f32
      %mul3A_370 = vector.broadcast %mul3A_369 : f32 to vector<16xf32>
      %mul3A_371 = arith.mulf %mul3A_370, %bitcast3A_368 : vector<16xf32>
      %add3A_372 = arith.constant -0.280629158 : f32
      %add3A_373 = vector.broadcast %add3A_372 : f32 to vector<16xf32>
      %add3A_374 = arith.addf %mul3A_371, %add3A_373 : vector<16xf32>
      %mul3A_375 = arith.mulf %add3A_374, %bitcast3A_368 : vector<16xf32>
      %add3A_376 = arith.constant 1.10479653 : f32
      %add3A_377 = vector.broadcast %add3A_376 : f32 to vector<16xf32>
      %add3A_378 = arith.addf %mul3A_375, %add3A_377 : vector<16xf32>
      %mul3A_379 = arith.mulf %add3A_378, %bitcast3A_368 : vector<16xf32>
      %add3A_380 = arith.constant -2.42079306 : f32
      %add3A_381 = vector.broadcast %add3A_380 : f32 to vector<16xf32>
      %add3A_382 = arith.addf %mul3A_379, %add3A_381 : vector<16xf32>
      %mul3A_383 = arith.mulf %add3A_382, %bitcast3A_368 : vector<16xf32>
      %add3A_384 = arith.constant 3.49821186 : f32
      %add3A_385 = vector.broadcast %add3A_384 : f32 to vector<16xf32>
      %add3A_386 = arith.addf %mul3A_383, %add3A_385 : vector<16xf32>
      %mul3A_387 = arith.mulf %add3A_386, %bitcast3A_368 : vector<16xf32>
      %add3A_388 = arith.constant -89.9613571 : f32
      %add3A_389 = vector.broadcast %add3A_388 : f32 to vector<16xf32>
      %add3A_390 = arith.addf %mul3A_387, %add3A_389 : vector<16xf32>
      %mul3A_391 = arith.constant 0.693147182 : f32
      %mul3A_392 = vector.broadcast %mul3A_391 : f32 to vector<16xf32>
      %mul3A_393 = arith.mulf %convert_element_type3A_361, %mul3A_392 : vector<16xf32>
      %add3A_394 = arith.addf %mul3A_393, %add3A_390 : vector<16xf32>
      %eq3A_395 = arith.constant 0.000000e+00 : f32
      %eq3A_396 = vector.broadcast %eq3A_395 : f32 to vector<16xf32>
      %eq3A_397 = arith.cmpf oeq, %gather3A_356, %eq3A_396 : vector<16xf32>
      %jit3A_398 = arith.constant 0xFF800000 : f32
      %broadcast_in_dim3A_399 = vector.broadcast %jit3A_398 : f32 to vector<16xf32>
      %select_n3A_400 = arith.select %eq3A_397, %broadcast_in_dim3A_399, %add3A_394 : vector<16xi1>, vector<16xf32>
      %mul3A_401 = arith.mulf %select_n3A_400, %get3A_336 : vector<16xf32>
      %add3A_402 = arith.addf %add3A_322, %mul3A_401 : vector<16xf32>
      %scan3A_403 = arith.constant 3 : i32
      %scan3A_404 = arith.addi %scan3A_174, %scan3A_403 : i32
      %mul3A_405 = arith.constant 16 : i32
      %mul3A_406 = arith.muli %scan3A_404, %mul3A_405 : i32
      %get3A_407 = arith.constant 0 : i32
      %get3A_408 = arith.index_cast %get3A_407 : i32 to index
      %get3A_409 = arith.index_cast %mul3A_406 : i32 to index
      %get3A_410 = tpu.vector_load %arg6[%get3A_408, %get3A_409] {strides = array<i32>} : memref<2x8192xi32, #tpu.memory_space<vmem>>, vector<16xi32>,
      %mul3A_411 = arith.constant 16 : i32
      %mul3A_412 = arith.muli %scan3A_404, %mul3A_411 : i32
      %get3A_413 = arith.constant 0 : i32
      %get3A_414 = arith.index_cast %get3A_413 : i32 to index
      %get3A_415 = arith.index_cast %mul3A_412 : i32 to index
      %get3A_416 = tpu.vector_load %arg7[%get3A_414, %get3A_415] {strides = array<i32>} : memref<2x8192xf32, #tpu.memory_space<vmem>>, vector<16xf32>,
      %shift_right_arithmetic3A_417 = arith.constant 3 : i32
      %shift_right_arithmetic3A_418 = arith.shrsi %scan3A_404, %shift_right_arithmetic3A_417 : i32
      %shift_left3A_419 = arith.constant 9 : i32
      %shift_left3A_420 = arith.shli %shift_right_arithmetic3A_418, %shift_left3A_419 : i32
      %and3A_421 = arith.constant 7 : i32
      %and3A_422 = arith.andi %scan3A_404, %and3A_421 : i32
      %shift_left3A_423 = arith.constant 4 : i32
      %shift_left3A_424 = arith.shli %and3A_422, %shift_left3A_423 : i32
      %or3A_425 = arith.ori %shift_left3A_420, %shift_left3A_424 : i32
      %shift_left3A_426 = arith.constant 7 : i32
      %shift_left3A_427 = vector.broadcast %shift_left3A_426 : i32 to vector<16xi32>
      %shift_left3A_428 = arith.shli %get3A_410, %shift_left3A_427 : vector<16xi32>
      %add3A_429 = arith.addi %shift_left3A_428, %iota3A : vector<16xi32>
      %add3A_430 = vector.broadcast %or3A_425 : i32 to vector<16xi32>
      %add3A_431 = arith.addi %add3A_429, %add3A_430 : vector<16xi32>
      %gather3A_432 = arith.constant 0 : i32
      %gather3A_433 = arith.constant 0 : i32
      %gather3A_434 = tpu.memref_slice %arg8[%gather3A_432, %gather3A_433] : memref<2x32768xf32, #tpu.memory_space<vmem>> -> memref<1x32768xf32, #tpu.memory_space<vmem>>
      %gather3A_435 = tpu.memref_squeeze %gather3A_434 : memref<1x32768xf32, #tpu.memory_space<vmem>> -> memref<32768xf32, #tpu.memory_space<vmem>>
      %gather3A_436 = tpu.vector_load_idx %gather3A_435[%add3A_431] : memref<32768xf32, #tpu.memory_space<vmem>>[vector<16xi32>], vector<16xf32>,
      %bitcast3A_437 = vector.bitcast %gather3A_436 : vector<16xf32> to vector<16xi32>
      %shift_right_arithmetic3A_438 = arith.constant 23 : i32
      %shift_right_arithmetic3A_439 = vector.broadcast %shift_right_arithmetic3A_438 : i32 to vector<16xi32>
      %shift_right_arithmetic3A_440 = arith.shrsi %bitcast3A_437, %shift_right_arithmetic3A_439 : vector<16xi32>
      %convert_element_type3A_441 = arith.sitofp %shift_right_arithmetic3A_440 : vector<16xi32> to vector<16xf32>
      %and3A_442 = arith.constant 8388607 : i32
      %and3A_443 = vector.broadcast %and3A_442 : i32 to vector<16xi32>
      %and3A_444 = arith.andi %bitcast3A_437, %and3A_443 : vector<16xi32>
      %or3A_445 = arith.constant 1065353216 : i32
      %or3A_446 = vector.broadcast %or3A_445 : i32 to vector<16xi32>
      %or3A_447 = arith.ori %and3A_444, %or3A_446 : vector<16xi32>
      %bitcast3A_448 = vector.bitcast %or3A_447 : vector<16xi32> to vector<16xf32>
      %mul3A_449 = arith.constant 0.0301022492 : f32
      %mul3A_450 = vector.broadcast %mul3A_449 : f32 to vector<16xf32>
      %mul3A_451 = arith.mulf %mul3A_450, %bitcast3A_448 : vector<16xf32>
      %add3A_452 = arith.constant -0.280629158 : f32
      %add3A_453 = vector.broadcast %add3A_452 : f32 to vector<16xf32>
      %add3A_454 = arith.addf %mul3A_451, %add3A_453 : vector<16xf32>
      %mul3A_455 = arith.mulf %add3A_454, %bitcast3A_448 : vector<16xf32>
      %add3A_456 = arith.constant 1.10479653 : f32
      %add3A_457 = vector.broadcast %add3A_456 : f32 to vector<16xf32>
      %add3A_458 = arith.addf %mul3A_455, %add3A_457 : vector<16xf32>
      %mul3A_459 = arith.mulf %add3A_458, %bitcast3A_448 : vector<16xf32>
      %add3A_460 = arith.constant -2.42079306 : f32
      %add3A_461 = vector.broadcast %add3A_460 : f32 to vector<16xf32>
      %add3A_462 = arith.addf %mul3A_459, %add3A_461 : vector<16xf32>
      %mul3A_463 = arith.mulf %add3A_462, %bitcast3A_448 : vector<16xf32>
      %add3A_464 = arith.constant 3.49821186 : f32
      %add3A_465 = vector.broadcast %add3A_464 : f32 to vector<16xf32>
      %add3A_466 = arith.addf %mul3A_463, %add3A_465 : vector<16xf32>
      %mul3A_467 = arith.mulf %add3A_466, %bitcast3A_448 : vector<16xf32>
      %add3A_468 = arith.constant -89.9613571 : f32
      %add3A_469 = vector.broadcast %add3A_468 : f32 to vector<16xf32>
      %add3A_470 = arith.addf %mul3A_467, %add3A_469 : vector<16xf32>
      %mul3A_471 = arith.constant 0.693147182 : f32
      %mul3A_472 = vector.broadcast %mul3A_471 : f32 to vector<16xf32>
      %mul3A_473 = arith.mulf %convert_element_type3A_441, %mul3A_472 : vector<16xf32>
      %add3A_474 = arith.addf %mul3A_473, %add3A_470 : vector<16xf32>
      %eq3A_475 = arith.constant 0.000000e+00 : f32
      %eq3A_476 = vector.broadcast %eq3A_475 : f32 to vector<16xf32>
      %eq3A_477 = arith.cmpf oeq, %gather3A_436, %eq3A_476 : vector<16xf32>
      %jit3A_478 = arith.constant 0xFF800000 : f32
      %broadcast_in_dim3A_479 = vector.broadcast %jit3A_478 : f32 to vector<16xf32>
      %select_n3A_480 = arith.select %eq3A_477, %broadcast_in_dim3A_479, %add3A_474 : vector<16xi1>, vector<16xf32>
      %mul3A_481 = arith.mulf %select_n3A_480, %get3A_416 : vector<16xf32>
      %add3A_482 = arith.addf %add3A_402, %mul3A_481 : vector<16xf32>
      scf.yield %add3A_482 : vector<16xf32>
    }
    %scan3A_122 = arith.constant 512 : i32
    %dma_wait3A_123 = arith.constant 1 : i32
    %dma_wait3A_124 = arith.constant 1 : i32
    %dma_wait3A_125 = arith.constant 0 : i32
    %dma_wait3A_126 = tpu.memref_slice %arg6[%dma_wait3A_123, %dma_wait3A_125] : memref<2x8192xi32, #tpu.memory_space<vmem>> -> memref<1x8192xi32, #tpu.memory_space<vmem>>
    %dma_wait3A_127 = tpu.memref_squeeze %dma_wait3A_126 : memref<1x8192xi32, #tpu.memory_space<vmem>> -> memref<8192xi32, #tpu.memory_space<vmem>>
    %dma_wait3A_128 = tpu.memref_slice %arg3[%add3A_79] : memref<1048576xi32, #tpu.memory_space<hbm>> -> memref<8192xi32, #tpu.memory_space<hbm>>
    %dma_wait3A_129 = tpu.memref_slice %arg10[%dma_wait3A_124] : memref<2x!tpu.dma_semaphore, #tpu.memory_space<semaphore_mem>> -> memref<1x!tpu.dma_semaphore, #tpu.memory_space<semaphore_mem>>
    %dma_wait3A_130 = tpu.memref_squeeze %dma_wait3A_129 : memref<1x!tpu.dma_semaphore, #tpu.memory_space<semaphore_mem>> -> memref<!tpu.dma_semaphore, #tpu.memory_space<semaphore_mem>>
    %dma_wait3A_131 = arith.constant 0 : i32
    %dma_wait3A_132 = tpu.memref_slice %arg6[%dma_wait3A_123, %dma_wait3A_131] : memref<2x8192xi32, #tpu.memory_space<vmem>> -> memref<1x8192xi32, #tpu.memory_space<vmem>>
    %dma_wait3A_133 = tpu.memref_squeeze %dma_wait3A_132 : memref<1x8192xi32, #tpu.memory_space<vmem>> -> memref<8192xi32, #tpu.memory_space<vmem>>
    %dma_wait3A_134 = tpu.memref_slice %arg3[%add3A_79] : memref<1048576xi32, #tpu.memory_space<hbm>> -> memref<8192xi32, #tpu.memory_space<hbm>>
    tpu.wait_dma2 semaphore(%dma_wait3A_130 : memref<!tpu.dma_semaphore, #tpu.memory_space<semaphore_mem>>) src(%dma_wait3A_134 : memref<8192xi32, #tpu.memory_space<hbm>>) dst(%dma_wait3A_133 : memref<8192xi32, #tpu.memory_space<vmem>>)
    %dma_wait3A_135 = arith.constant 1 : i32
    %dma_wait3A_136 = arith.constant 1 : i32
    %dma_wait3A_137 = arith.constant 0 : i32
    %dma_wait3A_138 = tpu.memref_slice %arg7[%dma_wait3A_135, %dma_wait3A_137] : memref<2x8192xf32, #tpu.memory_space<vmem>> -> memref<1x8192xf32, #tpu.memory_space<vmem>>
    %dma_wait3A_139 = tpu.memref_squeeze %dma_wait3A_138 : memref<1x8192xf32, #tpu.memory_space<vmem>> -> memref<8192xf32, #tpu.memory_space<vmem>>
    %dma_wait3A_140 = tpu.memref_slice %arg2[%add3A_79] : memref<1048576xf32, #tpu.memory_space<hbm>> -> memref<8192xf32, #tpu.memory_space<hbm>>
    %dma_wait3A_141 = tpu.memref_slice %arg10[%dma_wait3A_136] : memref<2x!tpu.dma_semaphore, #tpu.memory_space<semaphore_mem>> -> memref<1x!tpu.dma_semaphore, #tpu.memory_space<semaphore_mem>>
    %dma_wait3A_142 = tpu.memref_squeeze %dma_wait3A_141 : memref<1x!tpu.dma_semaphore, #tpu.memory_space<semaphore_mem>> -> memref<!tpu.dma_semaphore, #tpu.memory_space<semaphore_mem>>
    %dma_wait3A_143 = arith.constant 0 : i32
    %dma_wait3A_144 = tpu.memref_slice %arg7[%dma_wait3A_135, %dma_wait3A_143] : memref<2x8192xf32, #tpu.memory_space<vmem>> -> memref<1x8192xf32, #tpu.memory_space<vmem>>
    %dma_wait3A_145 = tpu.memref_squeeze %dma_wait3A_144 : memref<1x8192xf32, #tpu.memory_space<vmem>> -> memref<8192xf32, #tpu.memory_space<vmem>>
    %dma_wait3A_146 = tpu.memref_slice %arg2[%add3A_79] : memref<1048576xf32, #tpu.memory_space<hbm>> -> memref<8192xf32, #tpu.memory_space<hbm>>
    tpu.wait_dma2 semaphore(%dma_wait3A_142 : memref<!tpu.dma_semaphore, #tpu.memory_space<semaphore_mem>>) src(%dma_wait3A_146 : memref<8192xf32, #tpu.memory_space<hbm>>) dst(%dma_wait3A_145 : memref<8192xf32, #tpu.memory_space<vmem>>)
    %dma_wait3A_147 = arith.constant 1 : i32
    %dma_wait3A_148 = arith.constant 1 : i32
    %dma_wait3A_149 = arith.constant 0 : i32
    %dma_wait3A_150 = tpu.memref_slice %arg8[%dma_wait3A_147, %dma_wait3A_149] : memref<2x32768xf32, #tpu.memory_space<vmem>> -> memref<1x32768xf32, #tpu.memory_space<vmem>>
    %dma_wait3A_151 = tpu.memref_squeeze %dma_wait3A_150 : memref<1x32768xf32, #tpu.memory_space<vmem>> -> memref<32768xf32, #tpu.memory_space<vmem>>
    %dma_wait3A_152 = tpu.memref_slice %arg4[%mul3A_105] : memref<4194304xf32, #tpu.memory_space<hbm>> -> memref<32768xf32, #tpu.memory_space<hbm>>
    %dma_wait3A_153 = tpu.memref_slice %arg10[%dma_wait3A_148] : memref<2x!tpu.dma_semaphore, #tpu.memory_space<semaphore_mem>> -> memref<1x!tpu.dma_semaphore, #tpu.memory_space<semaphore_mem>>
    %dma_wait3A_154 = tpu.memref_squeeze %dma_wait3A_153 : memref<1x!tpu.dma_semaphore, #tpu.memory_space<semaphore_mem>> -> memref<!tpu.dma_semaphore, #tpu.memory_space<semaphore_mem>>
    %dma_wait3A_155 = arith.constant 0 : i32
    %dma_wait3A_156 = tpu.memref_slice %arg8[%dma_wait3A_147, %dma_wait3A_155] : memref<2x32768xf32, #tpu.memory_space<vmem>> -> memref<1x32768xf32, #tpu.memory_space<vmem>>
    %dma_wait3A_157 = tpu.memref_squeeze %dma_wait3A_156 : memref<1x32768xf32, #tpu.memory_space<vmem>> -> memref<32768xf32, #tpu.memory_space<vmem>>
    %dma_wait3A_158 = tpu.memref_slice %arg4[%mul3A_105] : memref<4194304xf32, #tpu.memory_space<hbm>> -> memref<32768xf32, #tpu.memory_space<hbm>>
    tpu.wait_dma2 semaphore(%dma_wait3A_154 : memref<!tpu.dma_semaphore, #tpu.memory_space<semaphore_mem>>) src(%dma_wait3A_158 : memref<32768xf32, #tpu.memory_space<hbm>>) dst(%dma_wait3A_157 : memref<32768xf32, #tpu.memory_space<vmem>>)
    %scan3A_159 = arith.constant 0 : i32
    %scan3A_160 = arith.constant 512 : i32
    %scan3A_161 = arith.addi %scan3A_159, %scan3A_160 : i32
    %scan3A_162 = arith.constant 4 : i32
    %scan3A_163 = scf.for %scan3A_174 = %scan3A_159 to %scan3A_161 step %scan3A_162 iter_args(%scan3A_175 = %scan3A_121) -> (vector<16xf32>)  : i32 {
      %mul3A_176 = arith.constant 16 : i32
      %mul3A_177 = arith.muli %scan3A_174, %mul3A_176 : i32
      %get3A = arith.constant 1 : i32
      %get3A_178 = arith.index_cast %get3A : i32 to index
      %get3A_179 = arith.index_cast %mul3A_177 : i32 to index
      %get3A_180 = tpu.vector_load %arg6[%get3A_178, %get3A_179] {strides = array<i32>} : memref<2x8192xi32, #tpu.memory_space<vmem>>, vector<16xi32>,
      %mul3A_181 = arith.constant 16 : i32
      %mul3A_182 = arith.muli %scan3A_174, %mul3A_181 : i32
      %get3A_183 = arith.constant 1 : i32
      %get3A_184 = arith.index_cast %get3A_183 : i32 to index
      %get3A_185 = arith.index_cast %mul3A_182 : i32 to index
      %get3A_186 = tpu.vector_load %arg7[%get3A_184, %get3A_185] {strides = array<i32>} : memref<2x8192xf32, #tpu.memory_space<vmem>>, vector<16xf32>,
      %shift_right_arithmetic3A = arith.constant 3 : i32
      %shift_right_arithmetic3A_187 = arith.shrsi %scan3A_174, %shift_right_arithmetic3A : i32
      %shift_left3A = arith.constant 9 : i32
      %shift_left3A_188 = arith.shli %shift_right_arithmetic3A_187, %shift_left3A : i32
      %and3A = arith.constant 7 : i32
      %and3A_189 = arith.andi %scan3A_174, %and3A : i32
      %shift_left3A_190 = arith.constant 4 : i32
      %shift_left3A_191 = arith.shli %and3A_189, %shift_left3A_190 : i32
      %or3A = arith.ori %shift_left3A_188, %shift_left3A_191 : i32
      %shift_left3A_192 = arith.constant 7 : i32
      %shift_left3A_193 = vector.broadcast %shift_left3A_192 : i32 to vector<16xi32>
      %shift_left3A_194 = arith.shli %get3A_180, %shift_left3A_193 : vector<16xi32>
      %add3A_195 = arith.addi %shift_left3A_194, %iota3A : vector<16xi32>
      %add3A_196 = vector.broadcast %or3A : i32 to vector<16xi32>
      %add3A_197 = arith.addi %add3A_195, %add3A_196 : vector<16xi32>
      %gather3A = arith.constant 1 : i32
      %gather3A_198 = arith.constant 0 : i32
      %gather3A_199 = tpu.memref_slice %arg8[%gather3A, %gather3A_198] : memref<2x32768xf32, #tpu.memory_space<vmem>> -> memref<1x32768xf32, #tpu.memory_space<vmem>>
      %gather3A_200 = tpu.memref_squeeze %gather3A_199 : memref<1x32768xf32, #tpu.memory_space<vmem>> -> memref<32768xf32, #tpu.memory_space<vmem>>
      %gather3A_201 = tpu.vector_load_idx %gather3A_200[%add3A_197] : memref<32768xf32, #tpu.memory_space<vmem>>[vector<16xi32>], vector<16xf32>,
      %bitcast3A = vector.bitcast %gather3A_201 : vector<16xf32> to vector<16xi32>
      %shift_right_arithmetic3A_202 = arith.constant 23 : i32
      %shift_right_arithmetic3A_203 = vector.broadcast %shift_right_arithmetic3A_202 : i32 to vector<16xi32>
      %shift_right_arithmetic3A_204 = arith.shrsi %bitcast3A, %shift_right_arithmetic3A_203 : vector<16xi32>
      %convert_element_type3A = arith.sitofp %shift_right_arithmetic3A_204 : vector<16xi32> to vector<16xf32>
      %and3A_205 = arith.constant 8388607 : i32
      %and3A_206 = vector.broadcast %and3A_205 : i32 to vector<16xi32>
      %and3A_207 = arith.andi %bitcast3A, %and3A_206 : vector<16xi32>
      %or3A_208 = arith.constant 1065353216 : i32
      %or3A_209 = vector.broadcast %or3A_208 : i32 to vector<16xi32>
      %or3A_210 = arith.ori %and3A_207, %or3A_209 : vector<16xi32>
      %bitcast3A_211 = vector.bitcast %or3A_210 : vector<16xi32> to vector<16xf32>
      %mul3A_212 = arith.constant 0.0301022492 : f32
      %mul3A_213 = vector.broadcast %mul3A_212 : f32 to vector<16xf32>
      %mul3A_214 = arith.mulf %mul3A_213, %bitcast3A_211 : vector<16xf32>
      %add3A_215 = arith.constant -0.280629158 : f32
      %add3A_216 = vector.broadcast %add3A_215 : f32 to vector<16xf32>
      %add3A_217 = arith.addf %mul3A_214, %add3A_216 : vector<16xf32>
      %mul3A_218 = arith.mulf %add3A_217, %bitcast3A_211 : vector<16xf32>
      %add3A_219 = arith.constant 1.10479653 : f32
      %add3A_220 = vector.broadcast %add3A_219 : f32 to vector<16xf32>
      %add3A_221 = arith.addf %mul3A_218, %add3A_220 : vector<16xf32>
      %mul3A_222 = arith.mulf %add3A_221, %bitcast3A_211 : vector<16xf32>
      %add3A_223 = arith.constant -2.42079306 : f32
      %add3A_224 = vector.broadcast %add3A_223 : f32 to vector<16xf32>
      %add3A_225 = arith.addf %mul3A_222, %add3A_224 : vector<16xf32>
      %mul3A_226 = arith.mulf %add3A_225, %bitcast3A_211 : vector<16xf32>
      %add3A_227 = arith.constant 3.49821186 : f32
      %add3A_228 = vector.broadcast %add3A_227 : f32 to vector<16xf32>
      %add3A_229 = arith.addf %mul3A_226, %add3A_228 : vector<16xf32>
      %mul3A_230 = arith.mulf %add3A_229, %bitcast3A_211 : vector<16xf32>
      %add3A_231 = arith.constant -89.9613571 : f32
      %add3A_232 = vector.broadcast %add3A_231 : f32 to vector<16xf32>
      %add3A_233 = arith.addf %mul3A_230, %add3A_232 : vector<16xf32>
      %mul3A_234 = arith.constant 0.693147182 : f32
      %mul3A_235 = vector.broadcast %mul3A_234 : f32 to vector<16xf32>
      %mul3A_236 = arith.mulf %convert_element_type3A, %mul3A_235 : vector<16xf32>
      %add3A_237 = arith.addf %mul3A_236, %add3A_233 : vector<16xf32>
      %eq3A = arith.constant 0.000000e+00 : f32
      %eq3A_238 = vector.broadcast %eq3A : f32 to vector<16xf32>
      %eq3A_239 = arith.cmpf oeq, %gather3A_201, %eq3A_238 : vector<16xf32>
      %jit3A = arith.constant 0xFF800000 : f32
      %broadcast_in_dim3A_240 = vector.broadcast %jit3A : f32 to vector<16xf32>
      %select_n3A = arith.select %eq3A_239, %broadcast_in_dim3A_240, %add3A_237 : vector<16xi1>, vector<16xf32>
      %mul3A_241 = arith.mulf %select_n3A, %get3A_186 : vector<16xf32>
      %add3A_242 = arith.addf %scan3A_175, %mul3A_241 : vector<16xf32>
      %scan3A_243 = arith.constant 1 : i32
      %scan3A_244 = arith.addi %scan3A_174, %scan3A_243 : i32
      %mul3A_245 = arith.constant 16 : i32
      %mul3A_246 = arith.muli %scan3A_244, %mul3A_245 : i32
      %get3A_247 = arith.constant 1 : i32
      %get3A_248 = arith.index_cast %get3A_247 : i32 to index
      %get3A_249 = arith.index_cast %mul3A_246 : i32 to index
      %get3A_250 = tpu.vector_load %arg6[%get3A_248, %get3A_249] {strides = array<i32>} : memref<2x8192xi32, #tpu.memory_space<vmem>>, vector<16xi32>,
      %mul3A_251 = arith.constant 16 : i32
      %mul3A_252 = arith.muli %scan3A_244, %mul3A_251 : i32
      %get3A_253 = arith.constant 1 : i32
      %get3A_254 = arith.index_cast %get3A_253 : i32 to index
      %get3A_255 = arith.index_cast %mul3A_252 : i32 to index
      %get3A_256 = tpu.vector_load %arg7[%get3A_254, %get3A_255] {strides = array<i32>} : memref<2x8192xf32, #tpu.memory_space<vmem>>, vector<16xf32>,
      %shift_right_arithmetic3A_257 = arith.constant 3 : i32
      %shift_right_arithmetic3A_258 = arith.shrsi %scan3A_244, %shift_right_arithmetic3A_257 : i32
      %shift_left3A_259 = arith.constant 9 : i32
      %shift_left3A_260 = arith.shli %shift_right_arithmetic3A_258, %shift_left3A_259 : i32
      %and3A_261 = arith.constant 7 : i32
      %and3A_262 = arith.andi %scan3A_244, %and3A_261 : i32
      %shift_left3A_263 = arith.constant 4 : i32
      %shift_left3A_264 = arith.shli %and3A_262, %shift_left3A_263 : i32
      %or3A_265 = arith.ori %shift_left3A_260, %shift_left3A_264 : i32
      %shift_left3A_266 = arith.constant 7 : i32
      %shift_left3A_267 = vector.broadcast %shift_left3A_266 : i32 to vector<16xi32>
      %shift_left3A_268 = arith.shli %get3A_250, %shift_left3A_267 : vector<16xi32>
      %add3A_269 = arith.addi %shift_left3A_268, %iota3A : vector<16xi32>
      %add3A_270 = vector.broadcast %or3A_265 : i32 to vector<16xi32>
      %add3A_271 = arith.addi %add3A_269, %add3A_270 : vector<16xi32>
      %gather3A_272 = arith.constant 1 : i32
      %gather3A_273 = arith.constant 0 : i32
      %gather3A_274 = tpu.memref_slice %arg8[%gather3A_272, %gather3A_273] : memref<2x32768xf32, #tpu.memory_space<vmem>> -> memref<1x32768xf32, #tpu.memory_space<vmem>>
      %gather3A_275 = tpu.memref_squeeze %gather3A_274 : memref<1x32768xf32, #tpu.memory_space<vmem>> -> memref<32768xf32, #tpu.memory_space<vmem>>
      %gather3A_276 = tpu.vector_load_idx %gather3A_275[%add3A_271] : memref<32768xf32, #tpu.memory_space<vmem>>[vector<16xi32>], vector<16xf32>,
      %bitcast3A_277 = vector.bitcast %gather3A_276 : vector<16xf32> to vector<16xi32>
      %shift_right_arithmetic3A_278 = arith.constant 23 : i32
      %shift_right_arithmetic3A_279 = vector.broadcast %shift_right_arithmetic3A_278 : i32 to vector<16xi32>
      %shift_right_arithmetic3A_280 = arith.shrsi %bitcast3A_277, %shift_right_arithmetic3A_279 : vector<16xi32>
      %convert_element_type3A_281 = arith.sitofp %shift_right_arithmetic3A_280 : vector<16xi32> to vector<16xf32>
      %and3A_282 = arith.constant 8388607 : i32
      %and3A_283 = vector.broadcast %and3A_282 : i32 to vector<16xi32>
      %and3A_284 = arith.andi %bitcast3A_277, %and3A_283 : vector<16xi32>
      %or3A_285 = arith.constant 1065353216 : i32
      %or3A_286 = vector.broadcast %or3A_285 : i32 to vector<16xi32>
      %or3A_287 = arith.ori %and3A_284, %or3A_286 : vector<16xi32>
      %bitcast3A_288 = vector.bitcast %or3A_287 : vector<16xi32> to vector<16xf32>
      %mul3A_289 = arith.constant 0.0301022492 : f32
      %mul3A_290 = vector.broadcast %mul3A_289 : f32 to vector<16xf32>
      %mul3A_291 = arith.mulf %mul3A_290, %bitcast3A_288 : vector<16xf32>
      %add3A_292 = arith.constant -0.280629158 : f32
      %add3A_293 = vector.broadcast %add3A_292 : f32 to vector<16xf32>
      %add3A_294 = arith.addf %mul3A_291, %add3A_293 : vector<16xf32>
      %mul3A_295 = arith.mulf %add3A_294, %bitcast3A_288 : vector<16xf32>
      %add3A_296 = arith.constant 1.10479653 : f32
      %add3A_297 = vector.broadcast %add3A_296 : f32 to vector<16xf32>
      %add3A_298 = arith.addf %mul3A_295, %add3A_297 : vector<16xf32>
      %mul3A_299 = arith.mulf %add3A_298, %bitcast3A_288 : vector<16xf32>
      %add3A_300 = arith.constant -2.42079306 : f32
      %add3A_301 = vector.broadcast %add3A_300 : f32 to vector<16xf32>
      %add3A_302 = arith.addf %mul3A_299, %add3A_301 : vector<16xf32>
      %mul3A_303 = arith.mulf %add3A_302, %bitcast3A_288 : vector<16xf32>
      %add3A_304 = arith.constant 3.49821186 : f32
      %add3A_305 = vector.broadcast %add3A_304 : f32 to vector<16xf32>
      %add3A_306 = arith.addf %mul3A_303, %add3A_305 : vector<16xf32>
      %mul3A_307 = arith.mulf %add3A_306, %bitcast3A_288 : vector<16xf32>
      %add3A_308 = arith.constant -89.9613571 : f32
      %add3A_309 = vector.broadcast %add3A_308 : f32 to vector<16xf32>
      %add3A_310 = arith.addf %mul3A_307, %add3A_309 : vector<16xf32>
      %mul3A_311 = arith.constant 0.693147182 : f32
      %mul3A_312 = vector.broadcast %mul3A_311 : f32 to vector<16xf32>
      %mul3A_313 = arith.mulf %convert_element_type3A_281, %mul3A_312 : vector<16xf32>
      %add3A_314 = arith.addf %mul3A_313, %add3A_310 : vector<16xf32>
      %eq3A_315 = arith.constant 0.000000e+00 : f32
      %eq3A_316 = vector.broadcast %eq3A_315 : f32 to vector<16xf32>
      %eq3A_317 = arith.cmpf oeq, %gather3A_276, %eq3A_316 : vector<16xf32>
      %jit3A_318 = arith.constant 0xFF800000 : f32
      %broadcast_in_dim3A_319 = vector.broadcast %jit3A_318 : f32 to vector<16xf32>
      %select_n3A_320 = arith.select %eq3A_317, %broadcast_in_dim3A_319, %add3A_314 : vector<16xi1>, vector<16xf32>
      %mul3A_321 = arith.mulf %select_n3A_320, %get3A_256 : vector<16xf32>
      %add3A_322 = arith.addf %add3A_242, %mul3A_321 : vector<16xf32>
      %scan3A_323 = arith.constant 2 : i32
      %scan3A_324 = arith.addi %scan3A_174, %scan3A_323 : i32
      %mul3A_325 = arith.constant 16 : i32
      %mul3A_326 = arith.muli %scan3A_324, %mul3A_325 : i32
      %get3A_327 = arith.constant 1 : i32
      %get3A_328 = arith.index_cast %get3A_327 : i32 to index
      %get3A_329 = arith.index_cast %mul3A_326 : i32 to index
      %get3A_330 = tpu.vector_load %arg6[%get3A_328, %get3A_329] {strides = array<i32>} : memref<2x8192xi32, #tpu.memory_space<vmem>>, vector<16xi32>,
      %mul3A_331 = arith.constant 16 : i32
      %mul3A_332 = arith.muli %scan3A_324, %mul3A_331 : i32
      %get3A_333 = arith.constant 1 : i32
      %get3A_334 = arith.index_cast %get3A_333 : i32 to index
      %get3A_335 = arith.index_cast %mul3A_332 : i32 to index
      %get3A_336 = tpu.vector_load %arg7[%get3A_334, %get3A_335] {strides = array<i32>} : memref<2x8192xf32, #tpu.memory_space<vmem>>, vector<16xf32>,
      %shift_right_arithmetic3A_337 = arith.constant 3 : i32
      %shift_right_arithmetic3A_338 = arith.shrsi %scan3A_324, %shift_right_arithmetic3A_337 : i32
      %shift_left3A_339 = arith.constant 9 : i32
      %shift_left3A_340 = arith.shli %shift_right_arithmetic3A_338, %shift_left3A_339 : i32
      %and3A_341 = arith.constant 7 : i32
      %and3A_342 = arith.andi %scan3A_324, %and3A_341 : i32
      %shift_left3A_343 = arith.constant 4 : i32
      %shift_left3A_344 = arith.shli %and3A_342, %shift_left3A_343 : i32
      %or3A_345 = arith.ori %shift_left3A_340, %shift_left3A_344 : i32
      %shift_left3A_346 = arith.constant 7 : i32
      %shift_left3A_347 = vector.broadcast %shift_left3A_346 : i32 to vector<16xi32>
      %shift_left3A_348 = arith.shli %get3A_330, %shift_left3A_347 : vector<16xi32>
      %add3A_349 = arith.addi %shift_left3A_348, %iota3A : vector<16xi32>
      %add3A_350 = vector.broadcast %or3A_345 : i32 to vector<16xi32>
      %add3A_351 = arith.addi %add3A_349, %add3A_350 : vector<16xi32>
      %gather3A_352 = arith.constant 1 : i32
      %gather3A_353 = arith.constant 0 : i32
      %gather3A_354 = tpu.memref_slice %arg8[%gather3A_352, %gather3A_353] : memref<2x32768xf32, #tpu.memory_space<vmem>> -> memref<1x32768xf32, #tpu.memory_space<vmem>>
      %gather3A_355 = tpu.memref_squeeze %gather3A_354 : memref<1x32768xf32, #tpu.memory_space<vmem>> -> memref<32768xf32, #tpu.memory_space<vmem>>
      %gather3A_356 = tpu.vector_load_idx %gather3A_355[%add3A_351] : memref<32768xf32, #tpu.memory_space<vmem>>[vector<16xi32>], vector<16xf32>,
      %bitcast3A_357 = vector.bitcast %gather3A_356 : vector<16xf32> to vector<16xi32>
      %shift_right_arithmetic3A_358 = arith.constant 23 : i32
      %shift_right_arithmetic3A_359 = vector.broadcast %shift_right_arithmetic3A_358 : i32 to vector<16xi32>
      %shift_right_arithmetic3A_360 = arith.shrsi %bitcast3A_357, %shift_right_arithmetic3A_359 : vector<16xi32>
      %convert_element_type3A_361 = arith.sitofp %shift_right_arithmetic3A_360 : vector<16xi32> to vector<16xf32>
      %and3A_362 = arith.constant 8388607 : i32
      %and3A_363 = vector.broadcast %and3A_362 : i32 to vector<16xi32>
      %and3A_364 = arith.andi %bitcast3A_357, %and3A_363 : vector<16xi32>
      %or3A_365 = arith.constant 1065353216 : i32
      %or3A_366 = vector.broadcast %or3A_365 : i32 to vector<16xi32>
      %or3A_367 = arith.ori %and3A_364, %or3A_366 : vector<16xi32>
      %bitcast3A_368 = vector.bitcast %or3A_367 : vector<16xi32> to vector<16xf32>
      %mul3A_369 = arith.constant 0.0301022492 : f32
      %mul3A_370 = vector.broadcast %mul3A_369 : f32 to vector<16xf32>
      %mul3A_371 = arith.mulf %mul3A_370, %bitcast3A_368 : vector<16xf32>
      %add3A_372 = arith.constant -0.280629158 : f32
      %add3A_373 = vector.broadcast %add3A_372 : f32 to vector<16xf32>
      %add3A_374 = arith.addf %mul3A_371, %add3A_373 : vector<16xf32>
      %mul3A_375 = arith.mulf %add3A_374, %bitcast3A_368 : vector<16xf32>
      %add3A_376 = arith.constant 1.10479653 : f32
      %add3A_377 = vector.broadcast %add3A_376 : f32 to vector<16xf32>
      %add3A_378 = arith.addf %mul3A_375, %add3A_377 : vector<16xf32>
      %mul3A_379 = arith.mulf %add3A_378, %bitcast3A_368 : vector<16xf32>
      %add3A_380 = arith.constant -2.42079306 : f32
      %add3A_381 = vector.broadcast %add3A_380 : f32 to vector<16xf32>
      %add3A_382 = arith.addf %mul3A_379, %add3A_381 : vector<16xf32>
      %mul3A_383 = arith.mulf %add3A_382, %bitcast3A_368 : vector<16xf32>
      %add3A_384 = arith.constant 3.49821186 : f32
      %add3A_385 = vector.broadcast %add3A_384 : f32 to vector<16xf32>
      %add3A_386 = arith.addf %mul3A_383, %add3A_385 : vector<16xf32>
      %mul3A_387 = arith.mulf %add3A_386, %bitcast3A_368 : vector<16xf32>
      %add3A_388 = arith.constant -89.9613571 : f32
      %add3A_389 = vector.broadcast %add3A_388 : f32 to vector<16xf32>
      %add3A_390 = arith.addf %mul3A_387, %add3A_389 : vector<16xf32>
      %mul3A_391 = arith.constant 0.693147182 : f32
      %mul3A_392 = vector.broadcast %mul3A_391 : f32 to vector<16xf32>
      %mul3A_393 = arith.mulf %convert_element_type3A_361, %mul3A_392 : vector<16xf32>
      %add3A_394 = arith.addf %mul3A_393, %add3A_390 : vector<16xf32>
      %eq3A_395 = arith.constant 0.000000e+00 : f32
      %eq3A_396 = vector.broadcast %eq3A_395 : f32 to vector<16xf32>
      %eq3A_397 = arith.cmpf oeq, %gather3A_356, %eq3A_396 : vector<16xf32>
      %jit3A_398 = arith.constant 0xFF800000 : f32
      %broadcast_in_dim3A_399 = vector.broadcast %jit3A_398 : f32 to vector<16xf32>
      %select_n3A_400 = arith.select %eq3A_397, %broadcast_in_dim3A_399, %add3A_394 : vector<16xi1>, vector<16xf32>
      %mul3A_401 = arith.mulf %select_n3A_400, %get3A_336 : vector<16xf32>
      %add3A_402 = arith.addf %add3A_322, %mul3A_401 : vector<16xf32>
      %scan3A_403 = arith.constant 3 : i32
      %scan3A_404 = arith.addi %scan3A_174, %scan3A_403 : i32
      %mul3A_405 = arith.constant 16 : i32
      %mul3A_406 = arith.muli %scan3A_404, %mul3A_405 : i32
      %get3A_407 = arith.constant 1 : i32
      %get3A_408 = arith.index_cast %get3A_407 : i32 to index
      %get3A_409 = arith.index_cast %mul3A_406 : i32 to index
      %get3A_410 = tpu.vector_load %arg6[%get3A_408, %get3A_409] {strides = array<i32>} : memref<2x8192xi32, #tpu.memory_space<vmem>>, vector<16xi32>,
      %mul3A_411 = arith.constant 16 : i32
      %mul3A_412 = arith.muli %scan3A_404, %mul3A_411 : i32
      %get3A_413 = arith.constant 1 : i32
      %get3A_414 = arith.index_cast %get3A_413 : i32 to index
      %get3A_415 = arith.index_cast %mul3A_412 : i32 to index
      %get3A_416 = tpu.vector_load %arg7[%get3A_414, %get3A_415] {strides = array<i32>} : memref<2x8192xf32, #tpu.memory_space<vmem>>, vector<16xf32>,
      %shift_right_arithmetic3A_417 = arith.constant 3 : i32
      %shift_right_arithmetic3A_418 = arith.shrsi %scan3A_404, %shift_right_arithmetic3A_417 : i32
      %shift_left3A_419 = arith.constant 9 : i32
      %shift_left3A_420 = arith.shli %shift_right_arithmetic3A_418, %shift_left3A_419 : i32
      %and3A_421 = arith.constant 7 : i32
      %and3A_422 = arith.andi %scan3A_404, %and3A_421 : i32
      %shift_left3A_423 = arith.constant 4 : i32
      %shift_left3A_424 = arith.shli %and3A_422, %shift_left3A_423 : i32
      %or3A_425 = arith.ori %shift_left3A_420, %shift_left3A_424 : i32
      %shift_left3A_426 = arith.constant 7 : i32
      %shift_left3A_427 = vector.broadcast %shift_left3A_426 : i32 to vector<16xi32>
      %shift_left3A_428 = arith.shli %get3A_410, %shift_left3A_427 : vector<16xi32>
      %add3A_429 = arith.addi %shift_left3A_428, %iota3A : vector<16xi32>
      %add3A_430 = vector.broadcast %or3A_425 : i32 to vector<16xi32>
      %add3A_431 = arith.addi %add3A_429, %add3A_430 : vector<16xi32>
      %gather3A_432 = arith.constant 1 : i32
      %gather3A_433 = arith.constant 0 : i32
      %gather3A_434 = tpu.memref_slice %arg8[%gather3A_432, %gather3A_433] : memref<2x32768xf32, #tpu.memory_space<vmem>> -> memref<1x32768xf32, #tpu.memory_space<vmem>>
      %gather3A_435 = tpu.memref_squeeze %gather3A_434 : memref<1x32768xf32, #tpu.memory_space<vmem>> -> memref<32768xf32, #tpu.memory_space<vmem>>
      %gather3A_436 = tpu.vector_load_idx %gather3A_435[%add3A_431] : memref<32768xf32, #tpu.memory_space<vmem>>[vector<16xi32>], vector<16xf32>,
      %bitcast3A_437 = vector.bitcast %gather3A_436 : vector<16xf32> to vector<16xi32>
      %shift_right_arithmetic3A_438 = arith.constant 23 : i32
      %shift_right_arithmetic3A_439 = vector.broadcast %shift_right_arithmetic3A_438 : i32 to vector<16xi32>
      %shift_right_arithmetic3A_440 = arith.shrsi %bitcast3A_437, %shift_right_arithmetic3A_439 : vector<16xi32>
      %convert_element_type3A_441 = arith.sitofp %shift_right_arithmetic3A_440 : vector<16xi32> to vector<16xf32>
      %and3A_442 = arith.constant 8388607 : i32
      %and3A_443 = vector.broadcast %and3A_442 : i32 to vector<16xi32>
      %and3A_444 = arith.andi %bitcast3A_437, %and3A_443 : vector<16xi32>
      %or3A_445 = arith.constant 1065353216 : i32
      %or3A_446 = vector.broadcast %or3A_445 : i32 to vector<16xi32>
      %or3A_447 = arith.ori %and3A_444, %or3A_446 : vector<16xi32>
      %bitcast3A_448 = vector.bitcast %or3A_447 : vector<16xi32> to vector<16xf32>
      %mul3A_449 = arith.constant 0.0301022492 : f32
      %mul3A_450 = vector.broadcast %mul3A_449 : f32 to vector<16xf32>
      %mul3A_451 = arith.mulf %mul3A_450, %bitcast3A_448 : vector<16xf32>
      %add3A_452 = arith.constant -0.280629158 : f32
      %add3A_453 = vector.broadcast %add3A_452 : f32 to vector<16xf32>
      %add3A_454 = arith.addf %mul3A_451, %add3A_453 : vector<16xf32>
      %mul3A_455 = arith.mulf %add3A_454, %bitcast3A_448 : vector<16xf32>
      %add3A_456 = arith.constant 1.10479653 : f32
      %add3A_457 = vector.broadcast %add3A_456 : f32 to vector<16xf32>
      %add3A_458 = arith.addf %mul3A_455, %add3A_457 : vector<16xf32>
      %mul3A_459 = arith.mulf %add3A_458, %bitcast3A_448 : vector<16xf32>
      %add3A_460 = arith.constant -2.42079306 : f32
      %add3A_461 = vector.broadcast %add3A_460 : f32 to vector<16xf32>
      %add3A_462 = arith.addf %mul3A_459, %add3A_461 : vector<16xf32>
      %mul3A_463 = arith.mulf %add3A_462, %bitcast3A_448 : vector<16xf32>
      %add3A_464 = arith.constant 3.49821186 : f32
      %add3A_465 = vector.broadcast %add3A_464 : f32 to vector<16xf32>
      %add3A_466 = arith.addf %mul3A_463, %add3A_465 : vector<16xf32>
      %mul3A_467 = arith.mulf %add3A_466, %bitcast3A_448 : vector<16xf32>
      %add3A_468 = arith.constant -89.9613571 : f32
      %add3A_469 = vector.broadcast %add3A_468 : f32 to vector<16xf32>
      %add3A_470 = arith.addf %mul3A_467, %add3A_469 : vector<16xf32>
      %mul3A_471 = arith.constant 0.693147182 : f32
      %mul3A_472 = vector.broadcast %mul3A_471 : f32 to vector<16xf32>
      %mul3A_473 = arith.mulf %convert_element_type3A_441, %mul3A_472 : vector<16xf32>
      %add3A_474 = arith.addf %mul3A_473, %add3A_470 : vector<16xf32>
      %eq3A_475 = arith.constant 0.000000e+00 : f32
      %eq3A_476 = vector.broadcast %eq3A_475 : f32 to vector<16xf32>
      %eq3A_477 = arith.cmpf oeq, %gather3A_436, %eq3A_476 : vector<16xf32>
      %jit3A_478 = arith.constant 0xFF800000 : f32
      %broadcast_in_dim3A_479 = vector.broadcast %jit3A_478 : f32 to vector<16xf32>
      %select_n3A_480 = arith.select %eq3A_477, %broadcast_in_dim3A_479, %add3A_474 : vector<16xi1>, vector<16xf32>
      %mul3A_481 = arith.mulf %select_n3A_480, %get3A_416 : vector<16xf32>
      %add3A_482 = arith.addf %add3A_402, %mul3A_481 : vector<16xf32>
      scf.yield %add3A_482 : vector<16xf32>
    }
    %scan3A_164 = arith.constant 512 : i32
    %mul3A_165 = arith.constant -9.53674316E-7 : f32
    %mul3A_166 = vector.broadcast %mul3A_165 : f32 to vector<16xf32>
    %mul3A_167 = arith.mulf %scan3A_163, %mul3A_166 : vector<16xf32>
    %swap3A = arith.constant 0 : index
    %swap3A_168 = tpu.vector_load %arg9[%swap3A] {strides = array<i32>} : memref<16xf32, #tpu.memory_space<vmem>>, vector<16xf32>,
    tpu.vector_store %arg9[%swap3A], %mul3A_167 {strides = array<i32>} : memref<16xf32, #tpu.memory_space<vmem>>, vector<16xf32>,
    %mul3A_169 = arith.constant 16 : i32
    %mul3A_170 = arith.muli %arg0, %mul3A_169 : i32
    %add3A_171 = arith.addi %mul3A_170, %arg1 : i32
    %mul3A_172 = arith.constant 16 : i32
    %mul3A_173 = arith.muli %add3A_171, %mul3A_172 : i32
    "tpu.region"() ({
      %run_scoped3A = tpu.sem_alloc : memref<!tpu.dma_semaphore, #tpu.memory_space<semaphore_mem>>
      %dma_start3A_174 = tpu.memref_slice %arg5[%mul3A_173] : memref<512xf32, #tpu.memory_space<hbm>> -> memref<16xf32, #tpu.memory_space<hbm>>
      %dma_start3A_175 = tpu.memref_slice %arg5[%mul3A_173] : memref<512xf32, #tpu.memory_space<hbm>> -> memref<16xf32, #tpu.memory_space<hbm>>
      tpu.enqueue_dma source(%arg9 : memref<16xf32, #tpu.memory_space<vmem>>) target(%dma_start3A_175 : memref<16xf32, #tpu.memory_space<hbm>>) target_semaphore(%run_scoped3A : memref<!tpu.dma_semaphore, #tpu.memory_space<semaphore_mem>>)
      %dma_wait3A_176 = tpu.memref_slice %arg5[%mul3A_173] : memref<512xf32, #tpu.memory_space<hbm>> -> memref<16xf32, #tpu.memory_space<hbm>>
      %dma_wait3A_177 = tpu.memref_slice %arg5[%mul3A_173] : memref<512xf32, #tpu.memory_space<hbm>> -> memref<16xf32, #tpu.memory_space<hbm>>
      tpu.wait_dma2 semaphore(%run_scoped3A : memref<!tpu.dma_semaphore, #tpu.memory_space<semaphore_mem>>) src(%arg9 : memref<16xf32, #tpu.memory_space<vmem>>) dst(%dma_wait3A_177 : memref<16xf32, #tpu.memory_space<hbm>>)
      tpu.yield
    }) : () -> ()
    return
  }
}

module attributes {stable_mosaic.version = 14 : i64} {
  func.func @_tc_body(%arg0: i32, %arg1: memref<512x128xi32, #tpu.memory_space<vmem>>, %arg2: memref<512x128xf32, #tpu.memory_space<vmem>>, %arg3: memref<2048x128xf32, #tpu.memory_space<vmem>>, %arg4: memref<1x1xf32, #tpu.memory_space<smem>>) attributes {dimension_semantics = [#tpu.dimension_semantics<arbitrary>], iteration_bounds = array<i64: 8>, scalar_prefetch = 0 : i64, scratch_operands = 0 : i64, tpu.core_type = #tpu.core_type<tc>, window_params = [{transform_indices = @transform_0, window_bounds = array<i64: 512, 128>}, {transform_indices = @transform_1, window_bounds = array<i64: 512, 128>}, {transform_indices = @transform_2, window_bounds = array<i64: 2048, 128>}, {transform_indices = @transform_3, window_bounds = array<i64: 1, 1>}]} {
    %get3A = arith.constant 0 : index
    %get3A_0 = arith.constant 0 : index
    %get3A_1 = vector.load %arg1[%get3A, %get3A_0] : memref<512x128xi32, #tpu.memory_space<vmem>>, vector<512x128xi32>
    %get3A_2 = arith.constant 0 : index
    %get3A_3 = arith.constant 0 : index
    %get3A_4 = vector.load %arg2[%get3A_2, %get3A_3] : memref<512x128xf32, #tpu.memory_space<vmem>>, vector<512x128xf32>
    %get3A_5 = arith.constant 0 : index
    %get3A_6 = arith.constant 0 : index
    %get3A_7 = vector.load %arg3[%get3A_5, %get3A_6] : memref<2048x128xf32, #tpu.memory_space<vmem>>, vector<2048x128xf32>
    %reshape3A = vector.shape_cast %get3A_7 : vector<2048x128xf32> to vector<512x4x128xf32>
    %slice3A = vector.extract_strided_slice %reshape3A {offsets = [0, 0, 0], sizes = [512, 1, 128], strides = [1, 1, 1]} : vector<512x4x128xf32> to vector<512x1x128xf32>
    %squeeze3A = vector.shape_cast %slice3A : vector<512x1x128xf32> to vector<512x128xf32>
    %eq3A = arith.constant 1 : i32
    %eq3A_8 = vector.broadcast %eq3A : i32 to vector<512x128xi32>
    %eq3A_9 = arith.cmpi eq, %get3A_1, %eq3A_8 : vector<512x128xi32>
    %slice3A_10 = vector.extract_strided_slice %reshape3A {offsets = [0, 1, 0], sizes = [512, 1, 128], strides = [1, 1, 1]} : vector<512x4x128xf32> to vector<512x1x128xf32>
    %squeeze3A_11 = vector.shape_cast %slice3A_10 : vector<512x1x128xf32> to vector<512x128xf32>
    %select_n3A = arith.select %eq3A_9, %squeeze3A_11, %squeeze3A : vector<512x128xi1>, vector<512x128xf32>
    %eq3A_12 = arith.constant 2 : i32
    %eq3A_13 = vector.broadcast %eq3A_12 : i32 to vector<512x128xi32>
    %eq3A_14 = arith.cmpi eq, %get3A_1, %eq3A_13 : vector<512x128xi32>
    %slice3A_15 = vector.extract_strided_slice %reshape3A {offsets = [0, 2, 0], sizes = [512, 1, 128], strides = [1, 1, 1]} : vector<512x4x128xf32> to vector<512x1x128xf32>
    %squeeze3A_16 = vector.shape_cast %slice3A_15 : vector<512x1x128xf32> to vector<512x128xf32>
    %select_n3A_17 = arith.select %eq3A_14, %squeeze3A_16, %select_n3A : vector<512x128xi1>, vector<512x128xf32>
    %eq3A_18 = arith.constant 3 : i32
    %eq3A_19 = vector.broadcast %eq3A_18 : i32 to vector<512x128xi32>
    %eq3A_20 = arith.cmpi eq, %get3A_1, %eq3A_19 : vector<512x128xi32>
    %slice3A_21 = vector.extract_strided_slice %reshape3A {offsets = [0, 3, 0], sizes = [512, 1, 128], strides = [1, 1, 1]} : vector<512x4x128xf32> to vector<512x1x128xf32>
    %squeeze3A_22 = vector.shape_cast %slice3A_21 : vector<512x1x128xf32> to vector<512x128xf32>
    %select_n3A_23 = arith.select %eq3A_20, %squeeze3A_22, %select_n3A_17 : vector<512x128xi1>, vector<512x128xf32>
    %log3A = math.log %select_n3A_23 : vector<512x128xf32>
    %mul3A = arith.mulf %log3A, %get3A_4 : vector<512x128xf32>
    %reduce_sum3A = vector.shape_cast %mul3A : vector<512x128xf32> to vector<1x512x128xf32>
    %reduce_sum3A_24 = arith.constant dense<0.000000e+00> : vector<1xf32>
    %reduce_sum3A_25 = vector.multi_reduction <add>, %reduce_sum3A, %reduce_sum3A_24 [1, 2] : vector<1x512x128xf32> to vector<1xf32>
    %reduce_sum3A_26 = vector.shape_cast %reduce_sum3A_25 : vector<1xf32> to vector<1x1x1xf32>
    %reduce_sum3A_27 = vector.extract %reduce_sum3A_26[0, 0, 0] : f32 from vector<1x1x1xf32>
    %eq3A_28 = arith.constant 0 : i32
    %eq3A_29 = arith.cmpi eq, %arg0, %eq3A_28 : i32
    %convert_element_type3A = arith.extui %eq3A_29 : i1 to i32
    %cond3A = arith.constant 0 : i32
    %cond3A_30 = arith.cmpi ne, %convert_element_type3A, %cond3A : i32
    scf.if %cond3A_30 {
      %swap3A = arith.constant 0 : index
      %swap3A_35 = arith.constant 0 : index
      %swap3A_36 = memref.load %arg4[%swap3A, %swap3A_35] : memref<1x1xf32, #tpu.memory_space<smem>>
      memref.store %reduce_sum3A_27, %arg4[%swap3A, %swap3A_35] : memref<1x1xf32, #tpu.memory_space<smem>>
    } else {
    }
    %gt3A = arith.constant 0 : i32
    %gt3A_31 = arith.cmpi sgt, %arg0, %gt3A : i32
    %convert_element_type3A_32 = arith.extui %gt3A_31 : i1 to i32
    %cond3A_33 = arith.constant 0 : i32
    %cond3A_34 = arith.cmpi ne, %convert_element_type3A_32, %cond3A_33 : i32
    scf.if %cond3A_34 {
      %get3A_35 = arith.constant 0 : index
      %get3A_36 = arith.constant 0 : index
      %get3A_37 = memref.load %arg4[%get3A_35, %get3A_36] : memref<1x1xf32, #tpu.memory_space<smem>>
      %add3A = arith.addf %get3A_37, %reduce_sum3A_27 : f32
      %swap3A = arith.constant 0 : index
      %swap3A_38 = arith.constant 0 : index
      %swap3A_39 = memref.load %arg4[%swap3A, %swap3A_38] : memref<1x1xf32, #tpu.memory_space<smem>>
      memref.store %add3A, %arg4[%swap3A, %swap3A_38] : memref<1x1xf32, #tpu.memory_space<smem>>
    } else {
    }
    return
  }
  func.func @transform_0(%arg0: i32) -> (i32, i32) {
    %add3A = arith.constant 8 : i32
    %add3A_0 = arith.addi %add3A, %arg0 : i32
    %c0_i32 = arith.constant 0 : i32
    %c0_i32_1 = arith.constant 0 : i32
    return %add3A_0, %c0_i32 : i32, i32
  }
  func.func @transform_1(%arg0: i32) -> (i32, i32) {
    %add3A = arith.constant 8 : i32
    %add3A_0 = arith.addi %add3A, %arg0 : i32
    %c0_i32 = arith.constant 0 : i32
    %c0_i32_1 = arith.constant 0 : i32
    return %add3A_0, %c0_i32 : i32, i32
  }
  func.func @transform_2(%arg0: i32) -> (i32, i32) {
    %add3A = arith.constant 8 : i32
    %add3A_0 = arith.addi %add3A, %arg0 : i32
    %c0_i32 = arith.constant 0 : i32
    %c0_i32_1 = arith.constant 0 : i32
    return %add3A_0, %c0_i32 : i32, i32
  }
  func.func @transform_3(%arg0: i32) -> (i32, i32) {
    %c0_i32 = arith.constant 0 : i32
    %c0_i32_0 = arith.constant 0 : i32
    %c0_i32_1 = arith.constant 0 : i32
    return %c0_i32, %c0_i32_0 : i32, i32
  }
}

</mosaic_0001>

<sc_bundles>
// kernel: kernel.4.cloned.1.call-start
scs
__scs_entry_jumppad:
0x0: {  	(pc) =	sbr.rel $0x88, $3  }
0x1: {  	(tag) =	ssettag $0x0;
	lr =	simm.s32 $0x1  }
0x2: {  	[smem:$0x3F9E] =	sst lr;
	_ =	strace $0xD0000000  }
0x3: {  	_ = 	snop  }
0x4: {  	_ = 	snop  }
0x5: {  	_ = 	snop  }
0x6: {  	_ = 	snop  }
0x7: {  	_ = 	snop  }
__scs_overlays_trampoline_lowered:
0x8: {  	[smem:$0x3FAD] =	sst s0  }
0x9: {  	[smem:$0x3FAE] =	sst s1  }
0xa: {  	[smem:$0x3FAF] =	sst s2  }
0xb: {  	[smem:$0x3FB0] =	sst s3  }
0xc: {  	[smem:$0x3FB1] =	sst s4  }
0xd: {  	[smem:$0x3FB2] =	sst s5  }
0xe: {  	[smem:$0x3FB3] =	sst s6  }
0xf: {  	[smem:$0x3FB4] =	sst s7  }
0x10: {  	[smem:$0x3FB5] =	sst s8  }
0x11: {  	[smem:$0x3FB6] =	sst s9;
	s0 =	simm.s32 @!p0 $0x0  }
0x12: {  	s1 =	sld [smem:$0x3F9C];
	s0 =	simm.s32 @p0 $0x1  }
0x13: {  	[smem:$0x3FB7] =	sst s0;
	s0 =	simm.s32 @!p1 $0x0  }
0x14: {  	s2 =	sld [smem:$0x3F9B];
	s0 =	simm.s32 @p1 $0x1  }
0x15: {  	[smem:$0x3FB8] =	sst s0;
	s0 =	simm.s32 @!p2 $0x0  }
0x16: {  	s3 =	sld [smem:$0x3FDB];
	s0 =	simm.s32 @p2 $0x1  }
0x17: {  	s4 =	simm.s32 $0x1BF5;
	[smem:$0x3FBA] =	sst s0  }
0x18: {  	s0 =	sld [smem:$0x3F9D];
	_ =	swait.ge [sflag:s4], $0x0  }
0x19: {  	s7 =	sld [smem:$0x3F9E]  }
0x1a: {  	s8 =	sadd.s32 $0xFFFFE003, lr  }
0x1b: {  	s9 =	sadd.s32 $0xFFFFFEF7, lr;
	s5 =	simm.s32 $0xFFFFFFFF;
	p2 =	slt.u32 s8, $0xFFFFF086  }
0x1c: {  	p1 =	slt.u32 s9, $0xF7A;
	s5 =	simm.s32 @!p2 $0x0  }
0x1d: {  	s5 =	simm.s32 @p1 $0x1;
	p0 =	seq.s32 s7, s2  }
0x1e: {  	s7 =	smul.u32 @!p0 $0xF7A, s2;
	p2 =	seq.s32 @!p0 s5, $0x0  }
0x1f: {  	s9 =	smul.u32 $0xF7A, s1;
	s8 =	simm.s32 @!p0 $0x1BF5;
	p2 =	por !p2, p0  }
0x20: {  	[sflag:s8] =	ssyncset.s32 @!p0 $0xFFFFF086;
	s6 =	sadd.s32 @!p0 s3, s7;
	s7 =	simm.s32 @!p0 $0x108  }
0x21: {  	s3 =	sadd.s32 s3, s9;
	s6 =	sadd.s32 @!p0 $0x88, s6;
	s7 =	simm.s32 @p2 $0x1082  }
0x22: {  	[simem:s7], [sflag:s8] =	dma.local @!p0 [hbm:s6], $0xF7A  }
0x23: {  	s9 =	sor.u32 $0xD0000000, s2;
	s6 =	simm.s32 $0x108;
	_ =	swait.ge @!p0 [sflag:s8], $0x0  }
0x24: {  	s3 =	sadd.s32 $0x88, s3;
	s6 =	simm.s32 @!p1 $0x1082;
	[sflag:s4] =	ssyncset.s32 $0xFFFFF086  }
0x25: {  	[simem:s6], [sflag:s4] =	dma.local [hbm:s3], $0xF7A  }
0x26: {  	[smem:$0x3F9E] =	sst s1;
	(tag) =	ssettag s2;
	_ =	strace s9  }
0x27: {  	s1 =	sld [smem:$0x3FAE]  }
0x28: {  	s2 =	sld [smem:$0x3FAF]  }
0x29: {  	s4 =	sld [smem:$0x3FB1]  }
0x2a: {  	p0 =	seq.s32 s5, $0x0;
	s5 =	sld [smem:$0x3FB2]  }
0x2b: {  	s6 =	sld [smem:$0x3FB3]  }
0x2c: {  	s7 =	sld [smem:$0x3FB4]  }
0x2d: {  	s3 =	simm.s32 $0x108;
	s8 =	sld [smem:$0x3FB5]  }
0x2e: {  	s3 =	simm.s32 @!p0 $0x1082;
	s9 =	sld [smem:$0x3FB6]  }
0x2f: {  	lr =	sadd.s32 s0, s3;
	s0 =	sld [smem:$0x3FAD]  }
0x30: {  	s3 =	sld [smem:$0x3FB0]  }
0x31: {  	[smem:$0x3FB9] =	sst s10  }
0x32: {  	s10 =	sld [smem:$0x3FB7];
	_ =	sdelay $0x3  }
0x33: {  	p0 =	seq.s32 s10, $0x1;
	s10 =	sld [smem:$0x3FB9];
	_ =	sdelay $0x3  }
0x34: {  	[smem:$0x3FB9] =	sst s10  }
0x35: {  	s10 =	sld [smem:$0x3FB8];
	_ =	sdelay $0x3  }
0x36: {  	p1 =	seq.s32 s10, $0x1;
	s10 =	sld [smem:$0x3FB9];
	_ =	sdelay $0x3  }
0x37: {  	[smem:$0x3FB9] =	sst s10  }
0x38: {  	s10 =	sld [smem:$0x3FBA]  }
0x39: {  	_ = 	snop;
	(pc) =	sbr.ind lr, $3  }
0x3a: {  	_ = 	snop  }
0x3b: {  	_ = 	snop  }
0x3c: {  	p2 =	seq.s32 s10, $0x1;
	s10 =	sld [smem:$0x3FB9]  }
0x3d: {  	_ =	shalt  }
0x3e: {  	_ =	shalt  }
0x3f: {  	_ =	shalt  }
0x40: {  	_ =	shalt  }
0x41: {  	_ =	shalt  }
0x42: {  	_ =	shalt  }
0x43: {  	_ =	shalt  }
0x44: {  	_ =	shalt  }
0x45: {  	_ =	shalt  }
0x46: {  	_ =	shalt  }
0x47: {  	_ =	shalt  }
0x48: {  	_ =	shalt  }
0x49: {  	_ =	shalt  }
0x4a: {  	_ =	shalt  }
0x4b: {  	_ =	shalt  }
0x4c: {  	_ =	shalt  }
0x4d: {  	_ =	shalt  }
0x4e: {  	_ =	shalt  }
0x4f: {  	_ =	shalt  }
0x50: {  	_ =	shalt  }
0x51: {  	_ =	shalt  }
0x52: {  	_ =	shalt  }
0x53: {  	_ =	shalt  }
0x54: {  	_ =	shalt  }
0x55: {  	_ =	shalt  }
0x56: {  	_ =	shalt  }
0x57: {  	_ =	shalt  }
0x58: {  	_ =	shalt  }
0x59: {  	_ =	shalt  }
0x5a: {  	_ =	shalt  }
0x5b: {  	_ =	shalt  }
0x5c: {  	_ =	shalt  }
0x5d: {  	_ =	shalt  }
0x5e: {  	_ =	shalt  }
0x5f: {  	_ =	shalt  }
0x60: {  	_ =	shalt  }
0x61: {  	_ =	shalt  }
0x62: {  	_ =	shalt  }
0x63: {  	_ =	shalt  }
0x64: {  	_ =	shalt  }
0x65: {  	_ =	shalt  }
0x66: {  	_ =	shalt  }
0x67: {  	_ =	shalt  }
0x68: {  	_ =	shalt  }
0x69: {  	_ =	shalt  }
0x6a: {  	_ =	shalt  }
0x6b: {  	_ =	shalt  }
0x6c: {  	_ =	shalt  }
0x6d: {  	_ =	shalt  }
0x6e: {  	_ =	shalt  }
0x6f: {  	_ =	shalt  }
0x70: {  	_ =	shalt  }
0x71: {  	_ =	shalt  }
0x72: {  	_ =	shalt  }
0x73: {  	_ =	shalt  }
0x74: {  	_ =	shalt  }
0x75: {  	_ =	shalt  }
0x76: {  	_ =	shalt  }
0x77: {  	_ =	shalt  }
0x78: {  	_ =	shalt  }
0x79: {  	_ =	shalt  }
0x7a: {  	_ =	shalt  }
0x7b: {  	_ =	shalt  }
0x7c: {  	_ =	shalt  }
0x7d: {  	_ =	shalt  }
0x7e: {  	_ =	shalt  }
0x7f: {  	_ =	shalt  }
0x80: {  	_ =	shalt  }
0x81: {  	_ =	shalt  }
0x82: {  	_ =	shalt  }
0x83: {  	_ =	shalt  }
0x84: {  	_ =	shalt  }
0x85: {  	_ =	shalt  }
0x86: {  	_ =	shalt  }
0x87: {  	_ =	shalt  }
.Lfunc_end0:
.L_simem_size_0:
called_computation_lowered:
.L_overlay_start_0:
0x88: {  	s2 =	sld [smem:$0x3FD9]  }
0x89: {  	s3 =	sld [smem:$0x3FFE];
	_ =	sdelay $0x1  }
0x8a: {  	s1 =	srdreg.scid  }
0x8b: {  	s0 =	sand.u32 $0x1, s1  }
0x8c: {  	s17 =	sshll.u32 s0, $0xA;
	s2 =	sadd.s32 s3, s2  }
0x8d: {  	s2 =	sadd.s32 s2, s17  }
0x8e: {  	[smem:$0x3FC5] =	sst s2  }
0x8f: {  	_ = 	snop  }
0x90: {  	s2 =	sld [smem:$0x3FC9]  }
0x91: {  	s18 =	sld [smem:$0x3FC8]  }
0x92: {  	s4 =	sld [smem:$0x3FC7];
	(tm) =	ssettm $0x1  }
0x93: {  	s5 =	sld [smem:$0x3FFB];
	_ =	sdelay $0x3  }
0x94: {  	_ =	strace s5  }
0x95: {  	s5 =	sld [smem:$0x3FFC];
	_ =	sdelay $0x3  }
0x96: {  	_ =	strace s5  }
0x97: {  	s5 =	sld [smem:$0x3FFD];
	_ =	sdelay $0x3  }
0x98: {  	_ =	strace s5  }
0x99: {  	_ =	strace $0x8FFFFFFF  }
0x9a: {  	s19 =	sld [smem:$0x3FDB];
	_ =	sdelay $0x1  }
0x9b: {  	s6 =	simm.s32 $_scs_section_size  }
0x9c: {  	s7 =	simm.s32 $_size__tile_overlayer_lowered;
	s8 =	simm.s32 $_tile_overlayer_lowered  }
0x9d: {  	s22 =	simm.s32 $0x1BFF;
	s21 =	sshll.u32 s8, $0x1;
	s5 =	sadd.s32 s6, s19  }
0x9e: {  	s9 =	simm.s32 $0x0;
	s20 =	sshll.u32 s7, $0x1;
	s7 =	sadd.s32 s21, s5  }
0x9f: {  	[timem:s9], [sflag:s22] =	dma.local [hbm:s7], s20  }
0xa0: {  	_ =	swait.ge [sflag:s22], s20  }
0xa1: {  	s6 =	ssub.s32 $0x0, s20;
	[sflag:s22] =	ssyncset.done $0x0  }
0xa2: {  	[sflag:s22] =	ssyncadd.s32 s6;
	_ =	sdelay $0x1  }
0xa3: {  	s23 =	simm.s32 $0x1B8B  }
0xa4: {  	_ =	swait.ge [sflag:s23], $0x1  }
0xa5: {  	[sflag:s23] =	ssyncset.done $0x0  }
0xa6: {  	s25 =	simm.s32 $0x1B8E;
	s24 =	sld [smem:$0x3FFE];
	[sflag:s23] =	ssyncadd.s32 $0xFFFFFFFF  }
0xa7: {  	s26 =	simm.s32 $execute0_lowered;
	[smem:$0x3FD2] =	sst s25  }
0xa8: {  	s7 =	sshll.u32 s26, $0x1;
	_ =	strace $0x80000046;
	[dreg:$0x1] =	wrdreg $0xFFFFFFFF  }
0xa9: {  	s28 =	simm.s32 $_size_execute0_lowered;
	s5 =	sadd.s32 s5, s7;
	[dreg:$0x0] =	wrdreg $0x0  }
0xaa: {  	s7 =	sshll.u32 s28, $0x1;
	[dreg:$0x2] =	wrdreg s5  }
0xab: {  	[dreg:$0x3] =	wrdreg s7  }
0xac: {  	[dreg:$0x4] =	wrdreg $0xC0  }
0xad: {  	_ =	task [dreg:s9], $0x5FFFF  }
0xae: {  	[dreg:$0x1] =	wrdreg $0xFFFFFFFF  }
0xaf: {  	[dreg:$0x0] =	wrdreg $0x60  }
0xb0: {  	[dreg:$0x2] =	wrdreg s2  }
0xb1: {  	[dreg:$0x3] =	wrdreg s18  }
0xb2: {  	[dreg:$0x4] =	wrdreg s4  }
0xb3: {  	[dreg:$0x5] =	wrdreg s24  }
0xb4: {  	[dreg:$0x6] =	wrdreg $0x9  }
0xb5: {  	_ =	task.clear_ibuf [dreg:s9], $0x7FFFF;
	_ =	strace $0x90000046  }
0xb6: {  	s29 =	simm.s32 $0x9;
	_ =	strace $0x80000048  }
0xb7: {  	_ =	swait.ge [sflag:s29], $0x1  }
0xb8: {  	[sflag:s29] =	ssyncadd.s32 $0xFFFFFFFF  }
0xb9: {  	_ =	strace $0x90000048  }
0xba: {  	_ =	sfence  }
0xbb: {  	s30 =	sld [smem:$0x0];
	_ =	sdelay $0x2  }
0xbc: {  	s31 =	sshll.u32 s1, $0xD;
	s1 =	sshrl.u32 s1, $0x2  }
0xbd: {  	s3 =	sand.u32 $0x4000, s31;
	s1 =	sadd.s32 s1, s30  }
0xbe: {  	s0 =	sor.u32 s3, s0;
	s1 =	sshll.u32 s1, $0x11  }
0xbf: {  	s0 =	sor.u32 s1, s0  }
0xc0: {  	s0 =	sadd.s32 $0x8F2B, s0  }
0xc1: {  	[sflag:s0] =	ssyncadd.remote.s32 $0x1  }
0xc2: {  	_ =	sfence.sel $0xFFFF  }
0xc3: {  	[dreg:$0x0] =	wrdreg $0xFFFFFFFF;
	(pc) =	sbr.abs _section_cstart, $3  }
0xc4: {  	[dreg:$0x1] =	wrdreg $0xFFFFFFFF  }
0xc5: {  	_ =	task.clear_ibuf [dreg:s9], $0x2FFFF;
	_ =	strace $0x9FFFFFFF  }
0xc6: {  	(tm) =	ssettm $0x7FFFFFFF  }
0xc7: {  	_ =	shalt  }
tec
execute0_lowered:
.L_overlay_start_1:
0x0: {  	(tag) =	ssettag $0x1  }
0x1: {  	s7 =	rddreg [dreg:$0x0]  }
0x2: {  	s6 =	rddreg [dreg:$0x1]  }
0x3: {  	s8 =	rddreg [dreg:$0x2]  }
0x4: {  	s3 =	rddreg [dreg:$0x3]  }
0x5: {  	s1 =	srdreg.scid;
	s0 =	rddreg [dreg:$0x4]  }
0x6: {  	s2 =	simm.s32 $0x0;
	s13 =	simm.s32 $0x1;
	s14 =	simm.s32 $0x2000  }
0x7: {  	s15 =	simm.s32 $0x6000;
	s16 =	simm.s32 $0x10000;
	s17 =	simm.s32 $0x2  }
0x8: {  	s18 =	simm.s32 $0x18000;
	s19 =	simm.s32 $0x3;
	s4 =	sand.u32 $0x1, s1  }
0x9: {  	s20 =	simm.s32 $0x0;
	s1 =	stileid.u32;
	s5 =	sshll.u32 s4, $0x4  }
0xa: {  	[smem:$0x7FF] =	sst s2;
	s4 =	ssub.s32 $0x2, s4;
	s5 =	sor.u32 s1, s5  }
0xb: {  	_ =	strace $0x80000047;
	s30 =	sshrl.u32 s4, $0x1;
	s9 =	sshll.u32 s5, $0x1  }
0xc: {  	s10 =	sshll.u32 s5, $0xB;
	s11 =	ssub.s32 s4, s30;
	s12 =	sshll.u32 s5, $0xE  }
0xd: {  	s5 =	sshll.u32 s5, $0xD;
	s9 =	sadd.s32 s9, s3;
	s3 =	sadd.s32 s6, s10  }
0xe: {  	s4 =	sadd.s32 s7, s10;
	s31 =	sor.u32 $0x2000, s12;
	s5 =	sadd.s32 s8, s5  }
0xf: {  	s12 =	sshrl.u32 s31, $0x3;
	s10 =	sshrl.u32 s31, $0x1;
	s9 =	sadd.s32 $0x400, s9  }
0x10: {  	v0 =	vlaneseq.u32;
	s6 =	sadd.s32 s6, s12;
	s7 =	sadd.s32 s7, s12;
	s8 =	sadd.s32 s8, s10  }
0x11: {  	v1 =	vand.u32 $0x7, v0;
	s10 =	smax.u32 s11, $0x1;
	s11 =	simm.s32 $0x4000;
	s12 =	simm.s32 $0x8000  }
.LBB2_1:
0x12: {  	[tilespmem:s2], [sflag:$0x1] =	stream.linear.gather [hbm4b:s3+s2], $0x2000, $0x38;
	[tilespmem:$0x18010] =	vst v63  }
0x13: {  	_ = 	snop  }
0x14: {  	[tilespmem:s11], [sflag:$0x1] =	stream.linear.gather [hbm4b:s4+s2], $0x2000, $0x38;
	[tilespmem:$0x18010] =	vst v63  }
0x15: {  	_ = 	snop  }
0x16: {  	[tilespmem:s12], [sflag:$0x1] =	stream.linear.gather [hbm4b:s5+s2], $0x8000, $0x38;
	[tilespmem:$0x18010] =	vst v63  }
0x17: {  	_ =	swait.ge [sflag:s13], $0x2000  }
0x18: {  	[sflag:s13] =	ssyncset.done $0x0  }
0x19: {  	[sflag:s13] =	ssyncadd.s32 $0xFFFFE000  }
0x1a: {  	_ =	swait.ge [sflag:s13], $0x2000  }
0x1b: {  	[sflag:s13] =	ssyncset.done $0x0  }
0x1c: {  	[sflag:s13] =	ssyncadd.s32 $0xFFFFE000  }
0x1d: {  	_ =	swait.ge [sflag:s13], $0x8000  }
0x1e: {  	[sflag:s13] =	ssyncset.done $0x0  }
0x1f: {  	[sflag:s13] =	ssyncadd.s32 $0xFFFF8000  }
0x20: {  	[tilespmem:s14], [sflag:$0x2] =	stream.linear.gather [hbm4b:s6+s2], $0x2000, $0x38;
	[tilespmem:$0x18010] =	vst v63  }
0x21: {  	_ = 	snop  }
0x22: {  	[tilespmem:s15], [sflag:$0x2] =	stream.linear.gather [hbm4b:s7+s2], $0x2000, $0x38;
	[tilespmem:$0x18010] =	vst v63  }
0x23: {  	s22 =	simm.s32 $0x0  }
0x24: {  	[tilespmem:s16], [sflag:$0x2] =	stream.linear.gather [hbm4b:s8+s2], $0x8000, $0x38;
	[tilespmem:$0x18010] =	vst v63  }
0x25: {  	v2 =	vld [tilespmem:s22+$0x0]  }
0x26: {  	v3 =	vld [tilespmem:s22+$0x30]  }
0x27: {  	v4 =	vld [tilespmem:s22+$0x10]  }
0x28: {  	v5 =	vld [tilespmem:s22+$0x20];
	_ =	sdelay $0x1  }
0x29: {  	s23 =	sand.u32 $0x7E00, s2;
	s21 =	sand.u32 $0x40, s2  }
0x2a: {  	s24 =	simm.s32 $0x10;
	s25 =	simm.s32 $0x30;
	s28 =	simm.s32 $0x20  }
0x2b: {  	s21 =	sor.u32 s21, s23;
	s24 =	sand.u32 $0x50, s24;
	s25 =	sand.u32 $0x70, s25;
	v2 =	vshll.u32 v2, $0x7;
	v3 =	vshll.u32 v3, $0x7  }
0x2c: {  	s26 =	sand.u32 $0x60, s28;
	s24 =	sor.u32 s23, s24;
	s25 =	sor.u32 s23, s25;
	v4 =	vshll.u32 v4, $0x7;
	v5 =	vshll.u32 v5, $0x7;
	v2 =	vadd.s32 s21, v2  }
0x2d: {  	s23 =	sor.u32 s23, s26;
	v4 =	vadd.s32 s24, v4;
	v3 =	vadd.s32 s25, v3;
	v2 =	vor.u32 v0, v2  }
0x2e: {  	s21 =	simm.s32 $0x40;
	v5 =	vadd.s32 s23, v5;
	v4 =	vor.u32 v0, v4;
	v2 =	vand.u32 $0xFFFFFFC8, v2  }
0x2f: {  	v6 =	vld [tilespmem:s21+$0x30];
	v3 =	vor.u32 v0, v3;
	v4 =	vand.u32 $0xFFFFFFD8, v4;
	v2 =	vor.u32 v1, v2  }
0x30: {  	v7 =	vld [tilespmem:s21+$0x20];
	v5 =	vor.u32 v0, v5;
	v3 =	vand.u32 $0xFFFFFFF8, v3;
	v4 =	vor.u32 v1, v4  }
0x31: {  	v8 =	vld [tilespmem:s21+$0x10];
	v5 =	vand.u32 $0xFFFFFFE8, v5;
	v9 =	vor.u32 v1, v3  }
0x32: {  	v10 =	vld [tilespmem:s21+$0x0];
	v11 =	vor.u32 v1, v5;
	_ =	sdelay $0x1  }
0x33: {  	s29 =	simm.s32 $0x100;
	s30 =	simm.s32 $0x60;
	s31 =	simm.s32 $0x70;
	v3 =	vld.idx.msk [tilespmem:v2+s12+$0x0], $0xffff  }
0x34: {  	s28 =	simm.s32 $0x50;
	s26 =	sand.u32 $0x70, s31;
	s24 =	sand.u32 $0x7E00, s29;
	v4 =	vld.idx.msk [tilespmem:v4+s12+$0x0], $0xffff  }
0x35: {  	s28 =	sand.u32 $0x50, s28;
	s25 =	sand.u32 $0x60, s30;
	s26 =	sor.u32 s24, s26;
	v6 =	vshll.u32 v6, $0x7;
	v7 =	vshll.u32 v7, $0x7;
	v2 =	vld.idx.msk [tilespmem:v9+s12+$0x0], $0xffff  }
0x36: {  	s23 =	simm.s32 $0x40;
	s28 =	sor.u32 s24, s28;
	s25 =	sor.u32 s24, s25;
	v8 =	vshll.u32 v8, $0x7;
	v9 =	vshll.u32 v10, $0x7;
	v10 =	vadd.s32 s26, v6;
	v6 =	vld.idx.msk [tilespmem:v11+s12+$0x0], $0xffff  }
0x37: {  	s29 =	sand.u32 $0x40, s23;
	v5 =	vimm.f32 $0.0e+00;
	v8 =	vadd.s32 s28, v8;
	v7 =	vadd.s32 s25, v7  }
0x38: {  	s24 =	sor.u32 s29, s24;
	v8 =	vor.u32 v0, v8;
	v7 =	vor.u32 v0, v7;
	v11 =	vand.u32 $0x7FFFFF, v3  }
0x39: {  	v9 =	vadd.s32 s24, v9;
	v10 =	vor.u32 v0, v10;
	v12 =	vor.u32 $0x3F800000, v11  }
0x3a: {  	v7 =	vand.u32 $0xFFFFFFE8, v7;
	v13 =	vand.u32 $0x7FFFFF, v4;
	v11 =	vmul.f32 $3.010224920e-02, v12  }
0x3b: {  	v17 =	vand.u32 $0xFFFFFFD8, v8;
	v16 =	vand.u32 $0x7FFFFF, v6;
	v15 =	vor.u32 $0x3F800000, v13  }
0x3c: {  	v21 =	vor.u32 $0x3F800000, v16;
	v13 =	vmul.f32 $3.010224920e-02, v15;
	v11 =	vadd.f32 $-2.806291580e-01, v11  }
0x3d: {  	v14 =	vand.u32 $0xFFFFFFF8, v10;
	v10 =	vand.u32 $0x7FFFFF, v2;
	v16 =	vmul.f32 $3.010224920e-02, v21  }
0x3e: {  	v10 =	vor.u32 $0x3F800000, v10;
	v13 =	vadd.f32 $-2.806291580e-01, v13;
	v11 =	vmul.f32 v12, v11  }
0x3f: {  	v9 =	vor.u32 v0, v9;
	v18 =	vmul.f32 $3.010224920e-02, v10;
	v16 =	vadd.f32 $-2.806291580e-01, v16  }
0x40: {  	v7 =	vor.u32 v1, v7;
	v13 =	vmul.f32 v15, v13;
	v11 =	vadd.f32 $1.104796530e+00, v11  }
0x41: {  	v8 =	vor.u32 v1, v14;
	v14 =	vadd.f32 $-2.806291580e-01, v18;
	v16 =	vmul.f32 v21, v16  }
0x42: {  	v9 =	vand.u32 $0xFFFFFFC8, v9;
	v13 =	vadd.f32 $1.104796530e+00, v13;
	v18 =	vmul.f32 v12, v11  }
0x43: {  	v14 =	vmul.f32 v10, v14;
	v16 =	vadd.f32 $1.104796530e+00, v16;
	v11 =	vor.u32 v1, v9  }
0x44: {  	v9 =	vor.u32 v1, v17;
	v13 =	vmul.f32 v15, v13;
	v17 =	vadd.f32 $-2.420793060e+00, v18  }
0x45: {  	v19 =	vshra.s32 v2, $0x17;
	v14 =	vadd.f32 $1.104796530e+00, v14;
	v16 =	vmul.f32 v21, v16  }
0x46: {  	v22 =	vshra.s32 v3, $0x17;
	v20 =	vadd.f32 $-2.420793060e+00, v13;
	v17 =	vmul.f32 v12, v17  }
0x47: {  	v14 =	vmul.f32 v10, v14;
	v18 =	vshra.s32 v4, $0x17;
	v16 =	vadd.f32 $-2.420793060e+00, v16  }
0x48: {  	v13 =	vcvt.s32.f32 v19;
	v19 =	vmul.f32 v15, v20;
	v17 =	vadd.f32 $3.498211860e+00, v17  }
0x49: {  	v14 =	vadd.f32 $-2.420793060e+00, v14;
	v20 =	vcvt.s32.f32 v22;
	v16 =	vmul.f32 v21, v16  }
0x4a: {  	v18 =	vcvt.s32.f32 v18;
	v12 =	vmul.f32 v12, v17;
	v17 =	vadd.f32 $3.498211860e+00, v19  }
0x4b: {  	v22 =	vmul.f32 v10, v14;
	v25 =	vadd.f32 $3.498211860e+00, v16;
	v19 =	vmul.f32 $6.931471820e-01, v20  }
0x4c: {  	v14 =	vld [tilespmem:s22+$0x4000];
	v20 =	vshra.s32 v6, $0x17;
	v23 =	vadd.f32 $-8.996135710e+01, v12;
	v24 =	vmul.f32 v15, v17  }
0x4d: {  	v16 =	vmul.f32 $6.931471820e-01, v18;
	v18 =	vadd.f32 $3.498211860e+00, v22;
	v17 =	vcvt.s32.f32 v20;
	v12 =	vld [tilespmem:s22+$0x4030]  }
0x4e: {  	s25 =	simm.s32 $0x200;
	s24 =	simm.s32 $0x4;
	v21 =	vmul.f32 v21, v25;
	v15 =	vld [tilespmem:s22+$0x4010];
	v19 =	vadd.f32 v23, v19;
	v20 =	vadd.f32 $-8.996135710e+01, v24  }
.LBB2_2:
0x4f: {  	vm0 =	veq.f32 v3, $0.0e+00;
	v22 =	vld [tilespmem:s22+$0x4020];
	v3 =	vmul.f32 $6.931471820e-01, v17;
	v10 =	vmul.f32 v10, v18;
	s22 =	smov.u32 s21;
	s21 =	sshra.s32 s25, $0x2  }
0x50: {  	v17 =	vld [tilespmem:s21+$0x30];
	v18 =	vsel vm0, $0xFF800000, v19;
	v16 =	vadd.f32 v20, v16;
	v19 =	vadd.f32 $-8.996135710e+01, v21  }
0x51: {  	vm0 =	veq.f32 v4, $0.0e+00;
	v4 =	vmul.f32 $6.931471820e-01, v13;
	v20 =	vld [tilespmem:s21+$0x20];
	v14 =	vmul.f32 v18, v14  }
0x52: {  	v10 =	vadd.f32 $-8.996135710e+01, v10;
	v13 =	vld [tilespmem:s21+$0x10];
	v16 =	vsel vm0, $0xFF800000, v16;
	v18 =	vadd.f32 v19, v3  }
0x53: {  	vm0 =	veq.f32 v6, $0.0e+00;
	v19 =	vld [tilespmem:s21+$0x0];
	v5 =	vadd.f32 v14, v5;
	v14 =	vmul.f32 v16, v15  }
0x54: {  	s23 =	sadd.s32 $0x40, s23;
	v10 =	vadd.f32 v10, v4;
	v3 =	vld.idx.msk [tilespmem:v11+s12+$0x0], $0xffff;
	v6 =	vsel vm0, $0xFF800000, v18  }
0x55: {  	s26 =	sadd.s32 $0x20, s23;
	s28 =	sadd.s32 $0x30, s23;
	vm0 =	veq.f32 v2, $0.0e+00;
	v5 =	vadd.f32 v14, v5;
	v6 =	vmul.f32 v6, v22  }
0x56: {  	s29 =	sand.u32 $0x7E00, s25;
	s30 =	sadd.s32 $0x10, s23;
	s28 =	sand.u32 $0x70, s28;
	v11 =	vshll.u32 v17, $0x7;
	v4 =	vld.idx.msk [tilespmem:v9+s12+$0x0], $0xffff;
	v9 =	vsel vm0, $0xFF800000, v10  }
0x57: {  	s30 =	sand.u32 $0x50, s30;
	s26 =	sand.u32 $0x60, s26;
	s28 =	sor.u32 s29, s28;
	v10 =	vshll.u32 v20, $0x7;
	v2 =	vld.idx.msk [tilespmem:v8+s12+$0x0], $0xffff;
	v5 =	vadd.f32 v6, v5;
	v8 =	vmul.f32 v9, v12  }
0x58: {  	s31 =	sand.u32 $0x40, s23;
	s30 =	sor.u32 s29, s30;
	s26 =	sor.u32 s29, s26;
	v11 =	vadd.s32 s28, v11;
	v12 =	vshll.u32 v13, $0x7;
	v9 =	vshll.u32 v19, $0x7;
	v6 =	vld.idx.msk [tilespmem:v7+s12+$0x0], $0xffff  }
0x59: {  	s28 =	sor.u32 s31, s29;
	v10 =	vadd.s32 s26, v10;
	v7 =	vadd.s32 s30, v12;
	v5 =	vadd.f32 v8, v5  }
0x5a: {  	v8 =	vadd.s32 s28, v9;
	v9 =	vor.u32 v0, v11;
	v11 =	vand.u32 $0x7FFFFF, v3  }
0x5b: {  	v10 =	vor.u32 v0, v10;
	v7 =	vor.u32 v0, v7;
	v12 =	vor.u32 $0x3F800000, v11  }
0x5c: {  	v8 =	vor.u32 v0, v8;
	v11 =	vmul.f32 $3.010224920e-02, v12;
	v13 =	vand.u32 $0x7FFFFF, v4  }
0x5d: {  	v9 =	vand.u32 $0xFFFFFFF8, v9;
	v15 =	vor.u32 $0x3F800000, v13;
	v13 =	vand.u32 $0x7FFFFF, v2  }
0x5e: {  	v11 =	vadd.f32 $-2.806291580e-01, v11;
	v14 =	vmul.f32 $3.010224920e-02, v15;
	v16 =	vand.u32 $0x7FFFFF, v6  }
0x5f: {  	v17 =	vand.u32 $0xFFFFFFE8, v10;
	v10 =	vor.u32 $0x3F800000, v13;
	v21 =	vor.u32 $0x3F800000, v16  }
0x60: {  	v11 =	vmul.f32 v12, v11;
	v13 =	vadd.f32 $-2.806291580e-01, v14;
	v14 =	vmul.f32 $3.010224920e-02, v21  }
0x61: {  	v18 =	vand.u32 $0xFFFFFFD8, v7;
	v16 =	vand.u32 $0xFFFFFFC8, v8;
	v19 =	vmul.f32 $3.010224920e-02, v10  }
0x62: {  	v11 =	vadd.f32 $1.104796530e+00, v11;
	v13 =	vmul.f32 v15, v13;
	v14 =	vadd.f32 $-2.806291580e-01, v14  }
0x63: {  	v7 =	vor.u32 v1, v17;
	v8 =	vor.u32 v1, v9;
	v17 =	vadd.f32 $-2.806291580e-01, v19  }
0x64: {  	v19 =	vmul.f32 v12, v11;
	v13 =	vadd.f32 $1.104796530e+00, v13;
	v14 =	vmul.f32 v21, v14  }
0x65: {  	v9 =	vor.u32 v1, v18;
	v11 =	vor.u32 v1, v16;
	v16 =	vmul.f32 v10, v17  }
0x66: {  	v17 =	vadd.f32 $-2.420793060e+00, v19;
	v13 =	vmul.f32 v15, v13;
	v14 =	vadd.f32 $1.104796530e+00, v14  }
0x67: {  	s24 =	sadd.s32 $0x4, s24;
	v18 =	vshra.s32 v4, $0x17;
	v19 =	vshra.s32 v2, $0x17;
	v16 =	vadd.f32 $1.104796530e+00, v16  }
0x68: {  	p0 =	slt.u32 s24, $0x1FC;
	v17 =	vmul.f32 v12, v17;
	v20 =	vadd.f32 $-2.420793060e+00, v13;
	v14 =	vmul.f32 v21, v14  }
0x69: {  	v22 =	vshra.s32 v3, $0x17;
	v13 =	vcvt.s32.f32 v19;
	v16 =	vmul.f32 v10, v16  }
0x6a: {  	v17 =	vadd.f32 $3.498211860e+00, v17;
	v19 =	vmul.f32 v15, v20;
	v14 =	vadd.f32 $-2.420793060e+00, v14  }
0x6b: {  	v18 =	vcvt.s32.f32 v18;
	v20 =	vcvt.s32.f32 v22;
	v16 =	vadd.f32 $-2.420793060e+00, v16  }
.Ltmp0:
0x6c: {  	v12 =	vmul.f32 v12, v17;
	v17 =	vadd.f32 $3.498211860e+00, v19;
	v19 =	vmul.f32 v21, v14;
	(pc) =	sbr.rel @p0 .LBB2_2-.Ltmp0, $4  }
0x6d: {  	v22 =	vshra.s32 v6, $0x17;
	v20 =	vmul.f32 $6.931471820e-01, v20;
	v23 =	vmul.f32 v10, v16  }
0x6e: {  	v24 =	vadd.f32 $-8.996135710e+01, v12;
	v25 =	vmul.f32 v15, v17;
	v26 =	vadd.f32 $3.498211860e+00, v19;
	v14 =	vld [tilespmem:s22+$0x4000]  }
0x6f: {  	v16 =	vmul.f32 $6.931471820e-01, v18;
	v17 =	vcvt.s32.f32 v22;
	v18 =	vadd.f32 $3.498211860e+00, v23;
	v12 =	vld [tilespmem:s22+$0x4030]  }
0x70: {  	s25 =	sadd.s32 $0x100, s25;
	v19 =	vadd.f32 v24, v20;
	v20 =	vadd.f32 $-8.996135710e+01, v25;
	v21 =	vmul.f32 v21, v26;
	v15 =	vld [tilespmem:s22+$0x4010]  }
0x71: {  	_ =	sdelay $0x3  }
0x72: {  	v11 =	vld.idx.msk [tilespmem:v11+s12+$0x0], $0xffff  }
0x73: {  	vm0 =	veq.f32 v3, $0.0e+00;
	v17 =	vmul.f32 $6.931471820e-01, v17;
	v10 =	vmul.f32 v10, v18  }
0x74: {  	v9 =	vld.idx.msk [tilespmem:v9+s12+$0x0], $0xffff;
	vm9 =	veq.f32 v4, $0.0e+00;
	v4 =	vmul.f32 $6.931471820e-01, v13;
	vm10 =	veq.f32 v6, $0.0e+00  }
0x75: {  	v7 =	vld.idx.msk [tilespmem:v7+s12+$0x0], $0xffff;
	v3 =	vsel vm0, $0xFF800000, v19;
	v16 =	vadd.f32 v20, v16;
	v18 =	vadd.f32 $-8.996135710e+01, v21  }
0x76: {  	vm11 =	veq.f32 v2, $0.0e+00;
	v14 =	vmul.f32 v3, v14;
	v10 =	vadd.f32 $-8.996135710e+01, v10  }
0x77: {  	v3 =	vld.idx.msk [tilespmem:v8+s12+$0x0], $0xffff;
	v8 =	vsel vm9, $0xFF800000, v16;
	v13 =	vadd.f32 v18, v17;
	v6 =	vand.u32 $0x7FFFFF, v11  }
0x78: {  	v5 =	vadd.f32 v14, v5;
	v8 =	vmul.f32 v8, v15;
	v6 =	vor.u32 $0x3F800000, v6  }
0x79: {  	v14 =	vld [tilespmem:s22+$0x4020];
	v4 =	vadd.f32 v10, v4;
	v15 =	vand.u32 $0x7FFFFF, v9;
	v10 =	vmul.f32 $3.010224920e-02, v6  }
0x7a: {  	v17 =	vand.u32 $0x7FFFFF, v7;
	v5 =	vadd.f32 v8, v5;
	v8 =	vor.u32 $0x3F800000, v15  }
0x7b: {  	v2 =	vor.u32 $0x3F800000, v17;
	v16 =	vmul.f32 $3.010224920e-02, v8;
	v10 =	vadd.f32 $-2.806291580e-01, v10  }
0x7c: {  	v13 =	vsel vm10, $0xFF800000, v13;
	v15 =	vand.u32 $0x7FFFFF, v3;
	v17 =	vmul.f32 $3.010224920e-02, v2  }
0x7d: {  	v15 =	vor.u32 $0x3F800000, v15;
	v16 =	vadd.f32 $-2.806291580e-01, v16;
	v10 =	vmul.f32 v6, v10  }
0x7e: {  	v4 =	vsel vm11, $0xFF800000, v4;
	v13 =	vmul.f32 v13, v14;
	v14 =	vmul.f32 $3.010224920e-02, v15  }
0x7f: {  	v17 =	vadd.f32 $-2.806291580e-01, v17;
	v16 =	vmul.f32 v8, v16;
	v10 =	vadd.f32 $1.104796530e+00, v10  }
0x80: {  	v4 =	vmul.f32 v4, v12;
	v5 =	vadd.f32 v13, v5;
	v12 =	vadd.f32 $-2.806291580e-01, v14  }
0x81: {  	v13 =	vadd.f32 $1.104796530e+00, v16;
	v10 =	vmul.f32 v6, v10  }
0x82: {  	v20 =	vld [tilespmem:s21+$0x4020];
	v14 =	vmul.f32 v2, v17;
	v4 =	vadd.f32 v4, v5;
	v5 =	vmul.f32 v15, v12  }
0x83: {  	v17 =	vld [tilespmem:s21+$0x4010];
	v13 =	vmul.f32 v8, v13;
	v10 =	vadd.f32 $-2.420793060e+00, v10  }
0x84: {  	v21 =	vshra.s32 v11, $0x17;
	v16 =	vld [tilespmem:s21+$0x4000];
	v14 =	vadd.f32 $1.104796530e+00, v14;
	v5 =	vadd.f32 $1.104796530e+00, v5  }
0x85: {  	v21 =	vcvt.s32.f32 v21;
	v12 =	vld [tilespmem:s21+$0x4030];
	_ =	swait.ge [sflag:s17], $0x2000;
	v13 =	vadd.f32 $-2.420793060e+00, v13;
	v10 =	vmul.f32 v6, v10  }
0x86: {  	v18 =	vshra.s32 v9, $0x17;
	[sflag:s17] =	ssyncset.done $0x0;
	v14 =	vmul.f32 v2, v14;
	v5 =	vmul.f32 v15, v5  }
0x87: {  	v18 =	vcvt.s32.f32 v18;
	[sflag:s17] =	ssyncadd.s32 $0xFFFFE000;
	v13 =	vmul.f32 v8, v13;
	v10 =	vadd.f32 $3.498211860e+00, v10  }
0x88: {  	v19 =	vshra.s32 v3, $0x17;
	_ =	swait.ge [sflag:s17], $0x2000;
	v14 =	vadd.f32 $-2.420793060e+00, v14;
	v5 =	vadd.f32 $-2.420793060e+00, v5  }
0x89: {  	v19 =	vcvt.s32.f32 v19;
	[sflag:s17] =	ssyncset.done $0x0;
	v6 =	vmul.f32 v6, v10;
	v10 =	vadd.f32 $3.498211860e+00, v13  }
0x8a: {  	vm12 =	veq.f32 v11, $0.0e+00;
	[sflag:s17] =	ssyncadd.s32 $0xFFFFE000;
	v5 =	vmul.f32 v15, v5;
	v13 =	vmul.f32 v2, v14  }
0x8b: {  	_ =	swait.ge [sflag:s17], $0x8000;
	v14 =	vmul.f32 $6.931471820e-01, v21;
	v6 =	vadd.f32 $-8.996135710e+01, v6;
	v8 =	vmul.f32 v8, v10  }
0x8c: {  	[sflag:s17] =	ssyncset.done $0x0;
	v21 =	vshra.s32 v7, $0x17;
	v5 =	vadd.f32 $3.498211860e+00, v5;
	v10 =	vadd.f32 $3.498211860e+00, v13  }
0x8d: {  	s22 =	simm.s32 $0x0;
	[sflag:s17] =	ssyncadd.s32 $0xFFFF8000;
	v13 =	vmul.f32 $6.931471820e-01, v18;
	v6 =	vadd.f32 v6, v14;
	v8 =	vadd.f32 $-8.996135710e+01, v8  }
0x8e: {  	vm13 =	veq.f32 v9, $0.0e+00;
	v11 =	vld [tilespmem:s22+$0x2000];
	v18 =	vcvt.s32.f32 v21;
	v2 =	vmul.f32 v2, v10  }
0x8f: {  	v5 =	vmul.f32 v15, v5;
	v14 =	vld [tilespmem:s22+$0x2010];
	v6 =	vsel vm12, $0xFF800000, v6;
	v8 =	vadd.f32 v8, v13  }
0x90: {  	v10 =	vmul.f32 $6.931471820e-01, v18;
	v2 =	vadd.f32 $-8.996135710e+01, v2;
	v13 =	vld [tilespmem:s22+$0x2030];
	v6 =	vmul.f32 v6, v16  }
0x91: {  	s30 =	simm.s32 $0x0;
	v9 =	vmul.f32 $6.931471820e-01, v19;
	v5 =	vadd.f32 $-8.996135710e+01, v5;
	v8 =	vsel vm13, $0xFF800000, v8  }
0x92: {  	s23 =	sand.u32 $0x7E00, s30;
	s21 =	sand.u32 $0x40, s30;
	v2 =	vadd.f32 v2, v10;
	v10 =	vld [tilespmem:s22+$0x2020];
	v4 =	vadd.f32 v6, v4;
	v6 =	vmul.f32 v8, v17  }
0x93: {  	vm14 =	veq.f32 v7, $0.0e+00;
	s23 =	sor.u32 s21, s23;
	v7 =	vshll.u32 v11, $0x7;
	v5 =	vadd.f32 v5, v9  }
0x94: {  	s21 =	sor.u32 $0x10, s23;
	v8 =	vshll.u32 v14, $0x7;
	v4 =	vadd.f32 v6, v4;
	v6 =	vadd.s32 s23, v7  }
0x95: {  	s24 =	sor.u32 $0x30, s23;
	v8 =	vadd.s32 s21, v8;
	v7 =	vshll.u32 v13, $0x7;
	v6 =	vor.u32 v0, v6  }
0x96: {  	v8 =	vor.u32 v0, v8;
	v7 =	vadd.s32 s24, v7;
	v6 =	vand.u32 $0xFFFFFFC8, v6  }
0x97: {  	s21 =	simm.s32 $0x40;
	s23 =	sor.u32 $0x20, s23;
	v8 =	vand.u32 $0xFFFFFFD8, v8;
	v9 =	vshll.u32 v10, $0x7;
	v6 =	vor.u32 v1, v6  }
0x98: {  	v11 =	vld [tilespmem:s21+$0x2020];
	v7 =	vor.u32 v0, v7;
	v8 =	vor.u32 v1, v8;
	v9 =	vadd.s32 s23, v9  }
0x99: {  	vm15 =	veq.f32 v3, $0.0e+00;
	v10 =	vld [tilespmem:s21+$0x2030];
	v7 =	vand.u32 $0xFFFFFFF8, v7;
	v9 =	vor.u32 v0, v9  }
0x9a: {  	v2 =	vsel vm14, $0xFF800000, v2;
	v13 =	vld [tilespmem:s21+$0x2010];
	v7 =	vor.u32 v1, v7;
	v3 =	vand.u32 $0xFFFFFFE8, v9  }
0x9b: {  	s31 =	simm.s32 $0x100;
	v5 =	vsel vm15, $0xFF800000, v5;
	v2 =	vmul.f32 v2, v20;
	s23 =	simm.s32 $0x40;
	v9 =	vld [tilespmem:s21+$0x2000];
	v14 =	vor.u32 v1, v3  }
0x9c: {  	s24 =	sand.u32 $0x7E00, s31;
	s25 =	sand.u32 $0x40, s23;
	v3 =	vmul.f32 v5, v12;
	v5 =	vld.idx.msk [tilespmem:v6+s16+$0x0], $0xffff  }
0x9d: {  	v2 =	vadd.f32 v2, v4;
	s24 =	sor.u32 s25, s24;
	v4 =	vld.idx.msk [tilespmem:v8+s16+$0x0], $0xffff  }
0x9e: {  	s25 =	sor.u32 $0x30, s24;
	s28 =	sor.u32 $0x20, s24;
	v8 =	vshll.u32 v11, $0x7;
	v6 =	vshll.u32 v10, $0x7  }
0x9f: {  	v3 =	vadd.f32 v3, v2;
	v8 =	vadd.s32 s28, v8;
	v2 =	vld.idx.msk [tilespmem:v7+s16+$0x0], $0xffff;
	v10 =	vadd.s32 s25, v6  }
0xa0: {  	v8 =	vor.u32 v0, v8;
	v7 =	vshll.u32 v9, $0x7;
	v9 =	vshll.u32 v13, $0x7;
	v6 =	vld.idx.msk [tilespmem:v14+s16+$0x0], $0xffff  }
0xa1: {  	s26 =	sor.u32 $0x10, s24;
	v10 =	vor.u32 v0, v10;
	v8 =	vand.u32 $0xFFFFFFE8, v8;
	v11 =	vand.u32 $0x7FFFFF, v5  }
0xa2: {  	v9 =	vadd.s32 s26, v9;
	v13 =	vand.u32 $0x7FFFFF, v4;
	v12 =	vor.u32 $0x3F800000, v11  }
0xa3: {  	v7 =	vadd.s32 s24, v7;
	v15 =	vor.u32 $0x3F800000, v13;
	v11 =	vmul.f32 $3.010224920e-02, v12  }
0xa4: {  	v14 =	vand.u32 $0xFFFFFFF8, v10;
	v9 =	vor.u32 v0, v9;
	v13 =	vmul.f32 $3.010224920e-02, v15  }
0xa5: {  	v7 =	vor.u32 v0, v7;
	v16 =	vand.u32 $0x7FFFFF, v6;
	v11 =	vadd.f32 $-2.806291580e-01, v11  }
0xa6: {  	v10 =	vand.u32 $0x7FFFFF, v2;
	v13 =	vadd.f32 $-2.806291580e-01, v13;
	v21 =	vor.u32 $0x3F800000, v16  }
0xa7: {  	v10 =	vor.u32 $0x3F800000, v10;
	v16 =	vmul.f32 $3.010224920e-02, v21;
	v11 =	vmul.f32 v12, v11  }
0xa8: {  	v17 =	vand.u32 $0xFFFFFFC8, v7;
	v18 =	vmul.f32 $3.010224920e-02, v10;
	v13 =	vmul.f32 v15, v13  }
0xa9: {  	v7 =	vor.u32 v1, v8;
	v16 =	vadd.f32 $-2.806291580e-01, v16;
	v11 =	vadd.f32 $1.104796530e+00, v11  }
0xaa: {  	v8 =	vor.u32 v1, v14;
	v14 =	vadd.f32 $-2.806291580e-01, v18;
	v13 =	vadd.f32 $1.104796530e+00, v13  }
0xab: {  	v9 =	vand.u32 $0xFFFFFFD8, v9;
	v16 =	vmul.f32 v21, v16;
	v18 =	vmul.f32 v12, v11  }
0xac: {  	v22 =	vshra.s32 v5, $0x17;
	v14 =	vmul.f32 v10, v14;
	v13 =	vmul.f32 v15, v13  }
0xad: {  	v11 =	vor.u32 v1, v17;
	v16 =	vadd.f32 $1.104796530e+00, v16;
	v17 =	vadd.f32 $-2.420793060e+00, v18  }
0xae: {  	v9 =	vor.u32 v1, v9;
	v19 =	vshra.s32 v2, $0x17;
	v14 =	vadd.f32 $1.104796530e+00, v14  }
0xaf: {  	v20 =	vadd.f32 $-2.420793060e+00, v13;
	v16 =	vmul.f32 v21, v16;
	v17 =	vmul.f32 v12, v17  }
0xb0: {  	v13 =	vcvt.s32.f32 v19;
	v14 =	vmul.f32 v10, v14;
	v18 =	vshra.s32 v4, $0x17  }
0xb1: {  	v19 =	vmul.f32 v15, v20;
	v16 =	vadd.f32 $-2.420793060e+00, v16;
	v17 =	vadd.f32 $3.498211860e+00, v17  }
0xb2: {  	v20 =	vcvt.s32.f32 v22;
	v18 =	vcvt.s32.f32 v18;
	v14 =	vadd.f32 $-2.420793060e+00, v14  }
0xb3: {  	v16 =	vmul.f32 v21, v16;
	v12 =	vmul.f32 v12, v17;
	v17 =	vadd.f32 $3.498211860e+00, v19  }
0xb4: {  	v22 =	vmul.f32 v10, v14;
	v19 =	vmul.f32 $6.931471820e-01, v20;
	v20 =	vshra.s32 v6, $0x17  }
0xb5: {  	v14 =	vld [tilespmem:s22+$0x6000];
	v25 =	vadd.f32 $3.498211860e+00, v16;
	v23 =	vadd.f32 $-8.996135710e+01, v12;
	v24 =	vmul.f32 v15, v17  }
0xb6: {  	v16 =	vmul.f32 $6.931471820e-01, v18;
	v18 =	vadd.f32 $3.498211860e+00, v22;
	v17 =	vcvt.s32.f32 v20;
	v12 =	vld [tilespmem:s22+$0x6030]  }
0xb7: {  	s25 =	simm.s32 $0x200;
	s24 =	simm.s32 $0x4;
	v15 =	vld [tilespmem:s22+$0x6010];
	v21 =	vmul.f32 v21, v25;
	v19 =	vadd.f32 v23, v19;
	v20 =	vadd.f32 $-8.996135710e+01, v24  }
.LBB2_4:
0xb8: {  	vm0 =	veq.f32 v5, $0.0e+00;
	v22 =	vld [tilespmem:s22+$0x6020];
	v5 =	vmul.f32 $6.931471820e-01, v17;
	v10 =	vmul.f32 v10, v18;
	s22 =	smov.u32 s21;
	s21 =	sshra.s32 s25, $0x2  }
0xb9: {  	v17 =	vld [tilespmem:s21+$0x2030];
	v18 =	vsel vm0, $0xFF800000, v19;
	v16 =	vadd.f32 v20, v16;
	v19 =	vadd.f32 $-8.996135710e+01, v21  }
0xba: {  	vm0 =	veq.f32 v4, $0.0e+00;
	v4 =	vmul.f32 $6.931471820e-01, v13;
	v20 =	vld [tilespmem:s21+$0x2020];
	v14 =	vmul.f32 v18, v14  }
0xbb: {  	v10 =	vadd.f32 $-8.996135710e+01, v10;
	v13 =	vld [tilespmem:s21+$0x2010];
	v16 =	vsel vm0, $0xFF800000, v16;
	v18 =	vadd.f32 v19, v5  }
0xbc: {  	vm0 =	veq.f32 v6, $0.0e+00;
	v19 =	vld [tilespmem:s21+$0x2000];
	v3 =	vadd.f32 v14, v3;
	v14 =	vmul.f32 v16, v15  }
0xbd: {  	s23 =	sadd.s32 $0x40, s23;
	v10 =	vadd.f32 v10, v4;
	v5 =	vld.idx.msk [tilespmem:v11+s16+$0x0], $0xffff;
	v6 =	vsel vm0, $0xFF800000, v18  }
0xbe: {  	s26 =	sand.u32 $0x7E00, s25;
	s28 =	sand.u32 $0x40, s23;
	vm0 =	veq.f32 v2, $0.0e+00;
	v3 =	vadd.f32 v14, v3;
	v6 =	vmul.f32 v6, v22  }
0xbf: {  	s26 =	sor.u32 s28, s26;
	v11 =	vshll.u32 v17, $0x7;
	v4 =	vld.idx.msk [tilespmem:v9+s16+$0x0], $0xffff;
	v9 =	vsel vm0, $0xFF800000, v10  }
0xc0: {  	s28 =	sor.u32 $0x30, s26;
	v10 =	vshll.u32 v20, $0x7;
	v2 =	vld.idx.msk [tilespmem:v8+s16+$0x0], $0xffff;
	v3 =	vadd.f32 v6, v3;
	v8 =	vmul.f32 v9, v12  }
0xc1: {  	s29 =	sor.u32 $0x10, s26;
	s30 =	sor.u32 $0x20, s26;
	v11 =	vadd.s32 s28, v11;
	v12 =	vshll.u32 v13, $0x7;
	v9 =	vshll.u32 v19, $0x7;
	v6 =	vld.idx.msk [tilespmem:v7+s16+$0x0], $0xffff  }
0xc2: {  	v10 =	vadd.s32 s30, v10;
	v7 =	vadd.s32 s29, v12;
	v3 =	vadd.f32 v8, v3  }
0xc3: {  	v8 =	vadd.s32 s26, v9;
	v9 =	vor.u32 v0, v11;
	v11 =	vand.u32 $0x7FFFFF, v5  }
0xc4: {  	v10 =	vor.u32 v0, v10;
	v7 =	vor.u32 v0, v7;
	v12 =	vor.u32 $0x3F800000, v11  }
0xc5: {  	v8 =	vor.u32 v0, v8;
	v11 =	vmul.f32 $3.010224920e-02, v12;
	v13 =	vand.u32 $0x7FFFFF, v4  }
0xc6: {  	v9 =	vand.u32 $0xFFFFFFF8, v9;
	v15 =	vor.u32 $0x3F800000, v13;
	v13 =	vand.u32 $0x7FFFFF, v2  }
0xc7: {  	v11 =	vadd.f32 $-2.806291580e-01, v11;
	v14 =	vmul.f32 $3.010224920e-02, v15;
	v16 =	vand.u32 $0x7FFFFF, v6  }
0xc8: {  	v17 =	vand.u32 $0xFFFFFFE8, v10;
	v10 =	vor.u32 $0x3F800000, v13;
	v21 =	vor.u32 $0x3F800000, v16  }
0xc9: {  	v11 =	vmul.f32 v12, v11;
	v13 =	vadd.f32 $-2.806291580e-01, v14;
	v14 =	vmul.f32 $3.010224920e-02, v21  }
0xca: {  	v18 =	vand.u32 $0xFFFFFFD8, v7;
	v16 =	vand.u32 $0xFFFFFFC8, v8;
	v19 =	vmul.f32 $3.010224920e-02, v10  }
0xcb: {  	v11 =	vadd.f32 $1.104796530e+00, v11;
	v13 =	vmul.f32 v15, v13;
	v14 =	vadd.f32 $-2.806291580e-01, v14  }
0xcc: {  	v7 =	vor.u32 v1, v17;
	v8 =	vor.u32 v1, v9;
	v17 =	vadd.f32 $-2.806291580e-01, v19  }
0xcd: {  	v19 =	vmul.f32 v12, v11;
	v13 =	vadd.f32 $1.104796530e+00, v13;
	v14 =	vmul.f32 v21, v14  }
0xce: {  	v9 =	vor.u32 v1, v18;
	v11 =	vor.u32 v1, v16;
	v16 =	vmul.f32 v10, v17  }
0xcf: {  	v17 =	vadd.f32 $-2.420793060e+00, v19;
	v13 =	vmul.f32 v15, v13;
	v14 =	vadd.f32 $1.104796530e+00, v14  }
0xd0: {  	s24 =	sadd.s32 $0x4, s24;
	v18 =	vshra.s32 v4, $0x17;
	v19 =	vshra.s32 v2, $0x17;
	v16 =	vadd.f32 $1.104796530e+00, v16  }
0xd1: {  	p0 =	slt.u32 s24, $0x1FC;
	v17 =	vmul.f32 v12, v17;
	v20 =	vadd.f32 $-2.420793060e+00, v13;
	v14 =	vmul.f32 v21, v14  }
0xd2: {  	v22 =	vshra.s32 v5, $0x17;
	v13 =	vcvt.s32.f32 v19;
	v16 =	vmul.f32 v10, v16  }
0xd3: {  	v17 =	vadd.f32 $3.498211860e+00, v17;
	v19 =	vmul.f32 v15, v20;
	v14 =	vadd.f32 $-2.420793060e+00, v14  }
0xd4: {  	v18 =	vcvt.s32.f32 v18;
	v20 =	vcvt.s32.f32 v22;
	v16 =	vadd.f32 $-2.420793060e+00, v16  }
.Ltmp1:
0xd5: {  	v12 =	vmul.f32 v12, v17;
	v17 =	vadd.f32 $3.498211860e+00, v19;
	v19 =	vmul.f32 v21, v14;
	(pc) =	sbr.rel @p0 .LBB2_4-.Ltmp1, $4  }
0xd6: {  	v22 =	vshra.s32 v6, $0x17;
	v20 =	vmul.f32 $6.931471820e-01, v20;
	v23 =	vmul.f32 v10, v16  }
0xd7: {  	v24 =	vadd.f32 $-8.996135710e+01, v12;
	v25 =	vmul.f32 v15, v17;
	v26 =	vadd.f32 $3.498211860e+00, v19;
	v14 =	vld [tilespmem:s22+$0x6000]  }
0xd8: {  	v16 =	vmul.f32 $6.931471820e-01, v18;
	v17 =	vcvt.s32.f32 v22;
	v18 =	vadd.f32 $3.498211860e+00, v23;
	v12 =	vld [tilespmem:s22+$0x6030]  }
0xd9: {  	s25 =	sadd.s32 $0x100, s25;
	v19 =	vadd.f32 v24, v20;
	v20 =	vadd.f32 $-8.996135710e+01, v25;
	v21 =	vmul.f32 v21, v26;
	v15 =	vld [tilespmem:s22+$0x6010]  }
0xda: {  	_ =	sdelay $0x3  }
0xdb: {  	v11 =	vld.idx.msk [tilespmem:v11+s16+$0x0], $0xffff  }
0xdc: {  	vm0 =	veq.f32 v5, $0.0e+00;
	v27 =	vmul.f32 $6.931471820e-01, v17  }
0xdd: {  	v10 =	vmul.f32 v10, v18;
	v9 =	vld.idx.msk [tilespmem:v9+s16+$0x0], $0xffff;
	vm9 =	veq.f32 v4, $0.0e+00;
	v30 =	vmul.f32 $6.931471820e-01, v13  }
0xde: {  	v8 =	vld.idx.msk [tilespmem:v8+s16+$0x0], $0xffff;
	vm10 =	veq.f32 v6, $0.0e+00;
	v28 =	vsel vm0, $0xFF800000, v19;
	v16 =	vadd.f32 v20, v16  }
0xdf: {  	v7 =	vld.idx.msk [tilespmem:v7+s16+$0x0], $0xffff;
	vm11 =	veq.f32 v2, $0.0e+00;
	v29 =	vadd.f32 $-8.996135710e+01, v21;
	v14 =	vmul.f32 v28, v14  }
0xe0: {  	v10 =	vadd.f32 $-8.996135710e+01, v10;
	v31 =	vsel vm9, $0xFF800000, v16;
	v32 =	vand.u32 $0x7FFFFF, v11  }
0xe1: {  	v5 =	vadd.f32 v29, v27;
	v3 =	vadd.f32 v14, v3;
	v6 =	vor.u32 $0x3F800000, v32  }
0xe2: {  	v13 =	vmul.f32 v31, v15;
	v35 =	vand.u32 $0x7FFFFF, v9;
	v34 =	vmul.f32 $3.010224920e-02, v6  }
0xe3: {  	v33 =	vld [tilespmem:s22+$0x6020];
	v4 =	vadd.f32 v10, v30;
	v37 =	vand.u32 $0x7FFFFF, v8;
	v36 =	vor.u32 $0x3F800000, v35  }
0xe4: {  	v39 =	vand.u32 $0x7FFFFF, v7;
	v38 =	vmul.f32 $3.010224920e-02, v36;
	v10 =	vadd.f32 $-2.806291580e-01, v34  }
0xe5: {  	v5 =	vsel vm10, $0xFF800000, v5;
	v2 =	vor.u32 $0x3F800000, v39;
	v15 =	vor.u32 $0x3F800000, v37  }
0xe6: {  	v17 =	vmul.f32 $3.010224920e-02, v2;
	v16 =	vadd.f32 $-2.806291580e-01, v38;
	v10 =	vmul.f32 v6, v10  }
0xe7: {  	v48 =	vshra.s32 v9, $0x17;
	v3 =	vadd.f32 v13, v3;
	v40 =	vmul.f32 $3.010224920e-02, v15  }
0xe8: {  	v17 =	vadd.f32 $-2.806291580e-01, v17;
	v16 =	vmul.f32 v36, v16;
	v10 =	vadd.f32 $1.104796530e+00, v10  }
0xe9: {  	v5 =	vmul.f32 v5, v33;
	v4 =	vsel vm11, $0xFF800000, v4;
	v41 =	vadd.f32 $-2.806291580e-01, v40  }
0xea: {  	v43 =	vmul.f32 v2, v17;
	v42 =	vadd.f32 $1.104796530e+00, v16;
	v10 =	vmul.f32 v6, v10  }
0xeb: {  	v4 =	vmul.f32 v4, v12;
	v3 =	vadd.f32 v5, v3;
	v44 =	vmul.f32 v15, v41  }
0xec: {  	v47 =	vadd.f32 $1.104796530e+00, v43;
	v46 =	vmul.f32 v36, v42;
	v45 =	vadd.f32 $-2.420793060e+00, v10  }
0xed: {  	v50 =	vshra.s32 v11, $0x17;
	v3 =	vadd.f32 v4, v3;
	v4 =	vadd.f32 $1.104796530e+00, v44  }
0xee: {  	v12 =	vmul.f32 v2, v47;
	v10 =	vadd.f32 $-2.420793060e+00, v46;
	v5 =	vmul.f32 v6, v45  }
0xef: {  	v54 =	vshra.s32 v7, $0x17;
	v14 =	vcvt.s32.f32 v48;
	v4 =	vmul.f32 v15, v4  }
0xf0: {  	v12 =	vadd.f32 $-2.420793060e+00, v12;
	v10 =	vmul.f32 v36, v10;
	v5 =	vadd.f32 $3.498211860e+00, v5  }
0xf1: {  	v57 =	vcvt.s32.f32 v54;
	v17 =	vcvt.s32.f32 v50;
	v4 =	vadd.f32 $-2.420793060e+00, v4  }
0xf2: {  	v52 =	vmul.f32 v2, v12;
	v51 =	vadd.f32 $3.498211860e+00, v10;
	v5 =	vmul.f32 v6, v5  }
0xf3: {  	v49 =	vshra.s32 v8, $0x17;
	v53 =	vmul.f32 $6.931471820e-01, v17;
	v4 =	vmul.f32 v15, v4  }
0xf4: {  	v55 =	vld [tilespmem:s21+$0x6000];
	v10 =	vadd.f32 $3.498211860e+00, v52;
	v6 =	vmul.f32 v36, v51;
	v5 =	vadd.f32 $-8.996135710e+01, v5  }
0xf5: {  	v56 =	vmul.f32 $6.931471820e-01, v14;
	v59 =	vmul.f32 $6.931471820e-01, v57;
	v4 =	vadd.f32 $3.498211860e+00, v4  }
0xf6: {  	v58 =	vld [tilespmem:s21+$0x6010];
	v2 =	vmul.f32 v2, v10;
	v6 =	vadd.f32 $-8.996135710e+01, v6;
	v5 =	vadd.f32 v5, v53  }
0xf7: {  	vm12 =	veq.f32 v11, $0.0e+00;
	v16 =	vcvt.s32.f32 v49;
	v4 =	vmul.f32 v15, v4  }
0xf8: {  	v60 =	vld [tilespmem:s21+$0x6020];
	v2 =	vadd.f32 $-8.996135710e+01, v2;
	v6 =	vadd.f32 v6, v56;
	v5 =	vsel vm12, $0xFF800000, v5  }
0xf9: {  	vm13 =	veq.f32 v9, $0.0e+00;
	v61 =	vmul.f32 $6.931471820e-01, v16;
	v5 =	vmul.f32 v5, v55  }
0xfa: {  	v62 =	vld [tilespmem:s21+$0x6030];
	v4 =	vadd.f32 $-8.996135710e+01, v4;
	v2 =	vadd.f32 v2, v59;
	v6 =	vsel vm13, $0xFF800000, v6  }
0xfb: {  	vm14 =	veq.f32 v7, $0.0e+00;
	v63 =	vmul.f32 v6, v58;
	v3 =	vadd.f32 v5, v3  }
0xfc: {  	v4 =	vadd.f32 v4, v61;
	v2 =	vsel vm14, $0xFF800000, v2  }
0xfd: {  	vm15 =	veq.f32 v8, $0.0e+00;
	v2 =	vmul.f32 v2, v60;
	v3 =	vadd.f32 v63, v3  }
0xfe: {  	v4 =	vsel vm15, $0xFF800000, v4  }
0xff: {  	v2 =	vadd.f32 v2, v3;
	v3 =	vmul.f32 v4, v62;
	_ =	sdelay $0x1  }
0x100: {  	v2 =	vadd.f32 v3, v2;
	_ =	sdelay $0x1  }
0x101: {  	s20 =	sadd.s32 $0x1, s20;
	v2 =	vmul.f32 $-9.536743160e-07, v2  }
0x102: {  	p0 =	sne.s32 s20, s10  }
.Ltmp2:
0x103: {  	[tilespmem:$0x18000] =	vst v2;
	(pc) =	sbr.rel @p0 .LBB2_1-.Ltmp2, $4  }
0x104: {  	[hbm4b:s9+s2] =	stream.linear.scatter [tilespmem:s18], [sflag:$0x3], $0x10, $0x38;
	[tilespmem:$0x18010] =	vst v63  }
0x105: {  	_ =	swait.ge [sflag:s19], $0x10  }
0x106: {  	[sflag:s19] =	ssyncset.done $0x0  }
0x107: {  	[sflag:s19] =	ssyncadd.s32 $0xFFFFFFF0  }
0x108: {  	_ =	sfence.sel $0x180000  }
0x109: {  	[bflag:$0x0] =	sbarrier.arrive $0xFFFF  }
0x10a: {  	p0 =	sne.s32 s1, $0x0;
	_ =	strace $0x90000047  }
0x10b: {  	s0 =	sadd.s32 @!p0 $0x100000, s0;
	[bflag:$0x2] =	sbarrier.arrive $0xFFFF  }
0x10c: {  	[sflag:s0] =	ssyncadd.tile.s32 @!p0 $0x1;
	_ =	shalt  }
.Lfunc_end2:
_tile_overlayer_lowered:
.L_overlay_start_2:
0x10d: {  	(tag) =	ssettag $0x2  }
0x10e: {  	s0 =	rddreg [dreg:$0x0];
	s2 =	stileid.u32  }
0x10f: {  	s1 =	rddreg [dreg:$0x1];
	p0 =	sne.s32 s2, $0x0  }
0x110: {  	s3 =	rddreg [dreg:$0x2];
	[bflag:$0x3] =	sbarrier.arrive $0xFFFF;
	s2 =	simm.s32 @!p0 $0x1C03  }
0x111: {  	[timem:s3], [sflag:s2] =	dma.local @!p0 [hbm:s0], s1  }
0x112: {  	s0 =	simm.s32 @!p0 $0x3  }
0x113: {  	_ =	swait.ge @!p0 [sflag:s0], s1  }
0x114: {  	s1 =	ssub.s32 @!p0 $0x0, s1;
	[sflag:s0] =	ssyncset.done @!p0 $0x0  }
0x115: {  	[sflag:s0] =	ssyncadd.s32 @!p0 s1  }
0x116: {  	[bflag:$0x3] =	sbarrier.arrive $0xFFFF  }
0x117: {  	_ =	shalt  }

</sc_bundles>
